<compile_context>
chip_gen: v7x
topology: tpu7x:2x2x1
jax: 0.10.2.dev20260603
libtpu: 0.0.44.dev20260713+nightly
codegen_flags: <defaults>
</compile_context>

<pallas_src>
import functools

import jax
import jax.numpy as jnp
from jax import lax
from jax.experimental import pallas as pl
from jax.experimental.pallas import tpu as pltpu
from jax.experimental.pallas import tpu_sc as plsc

H = 512
HH = H * H
RB = 256
NB = H // RB

NC = 2
NS = 16
NW = NC * NS
CHUNK = HH // NW
NVEC = CHUNK // 16
INV255 = 1.0 / 255.0


def _tc_body(inp_ref, tgt_ref, ms_ref, o2_ref, o3_ref, loss_ref):
    rb = pl.program_id(0)
    c = pl.program_id(1)

    ms = ms_ref[...] * INV255
    td = jnp.clip((tgt_ref[0] + 1.0) * 0.5, 0.0, 1.0)
    idt = jnp.clip(inp_ref[0], 0.0, 1.0)

    o2 = idt * ms
    o3 = td * ms
    o2_ref[0] = o2
    o3_ref[0] = o3

    part = jnp.sum(jnp.abs(o2 - o3))

    @pl.when((rb == 0) & (c == 0))
    def _():
        loss_ref[0] = 0.0

    loss_ref[0] += part


def _sc_body(tgt_hbm, ref_hbm, ms_hbm, mt_hbm, o0_hbm, o1_hbm,
             tgt_v, ref_v, ms_v, mt_v,
             sem_m, sem_c0, sem_c1, sem_c2, sem_out):
    wid = lax.axis_index("s") * NC + lax.axis_index("c")
    off = wid * CHUNK
    sem_c = (sem_c0, sem_c1, sem_c2)

    cp_ms = pltpu.async_copy(ms_hbm.at[pl.ds(off, CHUNK)], ms_v, sem_m)
    cp_mt = pltpu.async_copy(mt_hbm.at[pl.ds(off, CHUNK)], mt_v, sem_m)
    cins = []
    for c in range(3):
        base = c * HH + off
        vsl = pl.ds(c * CHUNK, CHUNK)
        cins.append((
            pltpu.async_copy(tgt_hbm.at[pl.ds(base, CHUNK)], tgt_v.at[vsl], sem_c[c]),
            pltpu.async_copy(ref_hbm.at[pl.ds(base, CHUNK)], ref_v.at[vsl], sem_c[c]),
        ))
    cp_ms.wait()
    cp_mt.wait()

    couts = []
    for c in range(3):
        cins[c][0].wait()
        cins[c][1].wait()

        @plsc.parallel_loop(0, CHUNK, step=16, unroll=8)
        def _(i, c=c):
            sl = pl.ds(c * CHUNK + i, 16)
            msl = pl.ds(i, 16)
            td = jnp.clip(tgt_v[sl] * 0.5 + 0.5, 0.0, 1.0)
            tgt_v[sl] = td * (mt_v[msl] * INV255)
            rf = jnp.clip(ref_v[sl] * 0.5 + 0.5, 0.0, 1.0)
            ref_v[sl] = rf * (ms_v[msl] * INV255)

        base = c * HH + off
        vsl = pl.ds(c * CHUNK, CHUNK)
        couts.append(pltpu.async_copy(tgt_v.at[vsl], o0_hbm.at[pl.ds(base, CHUNK)], sem_out))
        couts.append(pltpu.async_copy(ref_v.at[vsl], o1_hbm.at[pl.ds(base, CHUNK)], sem_out))

    for cp in couts:
        cp.wait()


_sc_call = functools.partial(
    pl.kernel,
    mesh=plsc.VectorSubcoreMesh(core_axis_name="c", subcore_axis_name="s"),
    out_type=[
        jax.ShapeDtypeStruct((3 * HH,), jnp.float32),
        jax.ShapeDtypeStruct((3 * HH,), jnp.float32),
    ],
    scratch_types=[
        pltpu.VMEM((3 * CHUNK,), jnp.float32),
        pltpu.VMEM((3 * CHUNK,), jnp.float32),
        pltpu.VMEM((CHUNK,), jnp.float32),
        pltpu.VMEM((CHUNK,), jnp.float32),
        pltpu.SemaphoreType.DMA,
        pltpu.SemaphoreType.DMA,
        pltpu.SemaphoreType.DMA,
        pltpu.SemaphoreType.DMA,
        pltpu.SemaphoreType.DMA,
    ],
)(_sc_body)


def kernel(input_data, target_data, target_data_eye, mask_src, mask_tar, index, ref):
    del target_data_eye, index
    inp = input_data.reshape(3, H, H)
    tgt = target_data.reshape(3, H, H)
    ms = mask_src.reshape(H, H)

    img_spec = pl.BlockSpec((1, RB, H), lambda rb, c: (c, rb, 0))
    mask_spec = pl.BlockSpec((RB, H), lambda rb, c: (rb, 0))

    o2, o3, loss = pl.pallas_call(
        _tc_body,
        grid=(NB, 3),
        in_specs=[img_spec, img_spec, mask_spec],
        out_specs=[img_spec, img_spec, pl.BlockSpec(memory_space=pltpu.SMEM)],
        out_shape=[
            jax.ShapeDtypeStruct((3, H, H), jnp.float32),
            jax.ShapeDtypeStruct((3, H, H), jnp.float32),
            jax.ShapeDtypeStruct((1,), jnp.float32),
        ],
    )(inp, tgt, ms)

    o0_flat, o1_flat = _sc_call(
        target_data.reshape(3 * HH),
        ref.reshape(3 * HH),
        mask_src.reshape(HH),
        mask_tar.reshape(HH),
    )

    n = jnp.float32(3 * HH)
    return (
        o0_flat.reshape(1, 3, H, H),
        o1_flat.reshape(1, 3, H, H),
        o2.reshape(1, 3, H, H),
        o3.reshape(1, 3, H, H),
        loss[0] / n,
    )

# --- scband reference (transcript-rebuilt; emitter-appended) ---
"""Pipeline reference for scband-histogram-loss-57664230916310 (READ-ONLY COPY).

The authoritative reference and input builder live on the scoring server;
editing this copy changes nothing except your own understanding.
"""

import jax, jax.numpy as jnp
import numpy as np

H = 512


def setup_inputs(seed: int = 0) -> dict:
    key = jax.random.key(seed)
    ks = jax.random.split(key, 8)
    input_data = jax.random.uniform(ks[0], (1, 3, H, H), dtype=jnp.float32)
    target_data = jax.random.normal(ks[1], (1, 3, H, H), dtype=jnp.float32)
    target_data_eye = jax.random.normal(ks[2], (1, 3, H, H), dtype=jnp.float32)
    mask_src = jax.random.randint(ks[3], (1, 1, H, H), 0, 256).astype(jnp.float32)
    mask_tar = jax.random.randint(ks[4], (1, 1, H, H), 0, 256).astype(jnp.float32)
    index = jax.random.randint(ks[5], (4, 4096), 0, H).astype(jnp.int32)
    ref = jax.random.normal(ks[6], (1, 3, H, H), dtype=jnp.float32)
    return {
        'input_data': input_data,
        'target_data': target_data,
        'target_data_eye': target_data_eye,
        'mask_src': mask_src,
        'mask_tar': mask_tar,
        'index': index,
        'ref': ref,
    }


def _de_norm(x):
    return jnp.clip((x + 1.0) / 2.0, 0.0, 1.0)


def reference(input_data, target_data, target_data_eye, mask_src, mask_tar, index, ref):
    # part fixed to 'eye' (a skin_local_part): input_match = target_data * mask_src,
    # loss = L1(input_masked/255, input_match/255). vggnet is unused (use_vgg=False).
    part = 'eye'
    td = jnp.squeeze(_de_norm(target_data) * 255.0)
    idt = jnp.squeeze(jnp.clip(input_data, 0.0, 1.0) * 255.0)
    rf = jnp.squeeze(_de_norm(ref) * 255.0)
    ms = mask_src / 255.0
    mt = mask_tar / 255.0
    ms = jnp.squeeze(jnp.broadcast_to(ms, (1, 3, ms.shape[2], ms.shape[2])))
    mt = jnp.squeeze(jnp.broadcast_to(mt, (1, 3, mt.shape[2], mt.shape[2])))
    input_masked = idt * ms
    target_masked = td * mt
    ref_masked = rf * ms
    # skin_local_parts branch (part == 'eye'); requires_grad=False -> stop_gradient
    input_match = jax.lax.stop_gradient(td * ms)
    imgs = (
        jnp.expand_dims(target_masked / 255.0, 0),
        jnp.expand_dims(ref_masked / 255.0, 0),
        jnp.expand_dims(input_masked / 255.0, 0),
        jnp.expand_dims(input_match / 255.0, 0),
    )
    loss = jnp.mean(jnp.abs(input_masked / 255.0 - input_match / 255.0))
    return (*imgs, loss)

if __name__ == "__main__":
    import jax
    _d = setup_inputs()
    print(jax.jit(kernel)(*tuple(_d.values())))

</pallas_src>

<mosaic_0001>
#map = affine_map<(d0, d1) -> (0)>
module attributes {stable_mosaic.version = 14 : i64} {
  func.func @_sc_body(%arg0: i32, %arg1: i32, %arg2: memref<786432xf32, #tpu.memory_space<hbm>>, %arg3: memref<786432xf32, #tpu.memory_space<hbm>>, %arg4: memref<262144xf32, #tpu.memory_space<hbm>>, %arg5: memref<262144xf32, #tpu.memory_space<hbm>>, %arg6: memref<786432xf32, #tpu.memory_space<hbm>>, %arg7: memref<786432xf32, #tpu.memory_space<hbm>>, %arg8: memref<24576xf32, #tpu.memory_space<vmem>>, %arg9: memref<24576xf32, #tpu.memory_space<vmem>>, %arg10: memref<8192xf32, #tpu.memory_space<vmem>>, %arg11: memref<8192xf32, #tpu.memory_space<vmem>>, %arg12: memref<!tpu.dma_semaphore, #tpu.memory_space<semaphore_mem>>, %arg13: memref<!tpu.dma_semaphore, #tpu.memory_space<semaphore_mem>>, %arg14: memref<!tpu.dma_semaphore, #tpu.memory_space<semaphore_mem>>, %arg15: memref<!tpu.dma_semaphore, #tpu.memory_space<semaphore_mem>>, %arg16: memref<!tpu.dma_semaphore, #tpu.memory_space<semaphore_mem>>) attributes {dimension_semantics = [#tpu.dimension_semantics<core_parallel>, #tpu.dimension_semantics<subcore_parallel>], iteration_bounds = array<i64: 2, 16>, scalar_prefetch = 0 : i64, scratch_operands = 9 : i64, tpu.core_type = #tpu.core_type<sc_vector_subcore>, window_params = [{transform_indices = #map}, {transform_indices = #map}, {transform_indices = #map}, {transform_indices = #map}, {transform_indices = #map}, {transform_indices = #map}]} {
    %mul3A = arith.constant 2 : i32
    %mul3A_0 = arith.muli %arg1, %mul3A : i32
    %add3A = arith.addi %mul3A_0, %arg0 : i32
    %mul3A_1 = arith.constant 8192 : i32
    %mul3A_2 = arith.muli %add3A, %mul3A_1 : i32
    %dma_start3A = tpu.memref_slice %arg4[%mul3A_2] : memref<262144xf32, #tpu.memory_space<hbm>> -> memref<8192xf32, #tpu.memory_space<hbm>>
    %dma_start3A_3 = tpu.memref_slice %arg4[%mul3A_2] : memref<262144xf32, #tpu.memory_space<hbm>> -> memref<8192xf32, #tpu.memory_space<hbm>>
    tpu.enqueue_dma source(%dma_start3A_3 : memref<8192xf32, #tpu.memory_space<hbm>>) target(%arg10 : memref<8192xf32, #tpu.memory_space<vmem>>) target_semaphore(%arg12 : memref<!tpu.dma_semaphore, #tpu.memory_space<semaphore_mem>>)
    %dma_start3A_4 = tpu.memref_slice %arg5[%mul3A_2] : memref<262144xf32, #tpu.memory_space<hbm>> -> memref<8192xf32, #tpu.memory_space<hbm>>
    %dma_start3A_5 = tpu.memref_slice %arg5[%mul3A_2] : memref<262144xf32, #tpu.memory_space<hbm>> -> memref<8192xf32, #tpu.memory_space<hbm>>
    tpu.enqueue_dma source(%dma_start3A_5 : memref<8192xf32, #tpu.memory_space<hbm>>) target(%arg11 : memref<8192xf32, #tpu.memory_space<vmem>>) target_semaphore(%arg12 : memref<!tpu.dma_semaphore, #tpu.memory_space<semaphore_mem>>)
    %add3A_6 = arith.constant 0 : i32
    %add3A_7 = arith.addi %add3A_6, %mul3A_2 : i32
    %dma_start3A_8 = arith.constant 0 : i32
    %dma_start3A_9 = tpu.memref_slice %arg8[%dma_start3A_8] : memref<24576xf32, #tpu.memory_space<vmem>> -> memref<8192xf32, #tpu.memory_space<vmem>>
    %dma_start3A_10 = tpu.memref_slice %arg2[%add3A_7] : memref<786432xf32, #tpu.memory_space<hbm>> -> memref<8192xf32, #tpu.memory_space<hbm>>
    %dma_start3A_11 = arith.constant 0 : i32
    %dma_start3A_12 = tpu.memref_slice %arg8[%dma_start3A_11] : memref<24576xf32, #tpu.memory_space<vmem>> -> memref<8192xf32, #tpu.memory_space<vmem>>
    %dma_start3A_13 = tpu.memref_slice %arg2[%add3A_7] : memref<786432xf32, #tpu.memory_space<hbm>> -> memref<8192xf32, #tpu.memory_space<hbm>>
    tpu.enqueue_dma source(%dma_start3A_13 : memref<8192xf32, #tpu.memory_space<hbm>>) target(%dma_start3A_12 : memref<8192xf32, #tpu.memory_space<vmem>>) target_semaphore(%arg13 : memref<!tpu.dma_semaphore, #tpu.memory_space<semaphore_mem>>)
    %dma_start3A_14 = arith.constant 0 : i32
    %dma_start3A_15 = tpu.memref_slice %arg9[%dma_start3A_14] : memref<24576xf32, #tpu.memory_space<vmem>> -> memref<8192xf32, #tpu.memory_space<vmem>>
    %dma_start3A_16 = tpu.memref_slice %arg3[%add3A_7] : memref<786432xf32, #tpu.memory_space<hbm>> -> memref<8192xf32, #tpu.memory_space<hbm>>
    %dma_start3A_17 = arith.constant 0 : i32
    %dma_start3A_18 = tpu.memref_slice %arg9[%dma_start3A_17] : memref<24576xf32, #tpu.memory_space<vmem>> -> memref<8192xf32, #tpu.memory_space<vmem>>
    %dma_start3A_19 = tpu.memref_slice %arg3[%add3A_7] : memref<786432xf32, #tpu.memory_space<hbm>> -> memref<8192xf32, #tpu.memory_space<hbm>>
    tpu.enqueue_dma source(%dma_start3A_19 : memref<8192xf32, #tpu.memory_space<hbm>>) target(%dma_start3A_18 : memref<8192xf32, #tpu.memory_space<vmem>>) target_semaphore(%arg13 : memref<!tpu.dma_semaphore, #tpu.memory_space<semaphore_mem>>)
    %add3A_20 = arith.constant 262144 : i32
    %add3A_21 = arith.addi %add3A_20, %mul3A_2 : i32
    %dma_start3A_22 = arith.constant 8192 : i32
    %dma_start3A_23 = tpu.memref_slice %arg8[%dma_start3A_22] : memref<24576xf32, #tpu.memory_space<vmem>> -> memref<8192xf32, #tpu.memory_space<vmem>>
    %dma_start3A_24 = tpu.memref_slice %arg2[%add3A_21] : memref<786432xf32, #tpu.memory_space<hbm>> -> memref<8192xf32, #tpu.memory_space<hbm>>
    %dma_start3A_25 = arith.constant 8192 : i32
    %dma_start3A_26 = tpu.memref_slice %arg8[%dma_start3A_25] : memref<24576xf32, #tpu.memory_space<vmem>> -> memref<8192xf32, #tpu.memory_space<vmem>>
    %dma_start3A_27 = tpu.memref_slice %arg2[%add3A_21] : memref<786432xf32, #tpu.memory_space<hbm>> -> memref<8192xf32, #tpu.memory_space<hbm>>
    tpu.enqueue_dma source(%dma_start3A_27 : memref<8192xf32, #tpu.memory_space<hbm>>) target(%dma_start3A_26 : memref<8192xf32, #tpu.memory_space<vmem>>) target_semaphore(%arg14 : memref<!tpu.dma_semaphore, #tpu.memory_space<semaphore_mem>>)
    %dma_start3A_28 = arith.constant 8192 : i32
    %dma_start3A_29 = tpu.memref_slice %arg9[%dma_start3A_28] : memref<24576xf32, #tpu.memory_space<vmem>> -> memref<8192xf32, #tpu.memory_space<vmem>>
    %dma_start3A_30 = tpu.memref_slice %arg3[%add3A_21] : memref<786432xf32, #tpu.memory_space<hbm>> -> memref<8192xf32, #tpu.memory_space<hbm>>
    %dma_start3A_31 = arith.constant 8192 : i32
    %dma_start3A_32 = tpu.memref_slice %arg9[%dma_start3A_31] : memref<24576xf32, #tpu.memory_space<vmem>> -> memref<8192xf32, #tpu.memory_space<vmem>>
    %dma_start3A_33 = tpu.memref_slice %arg3[%add3A_21] : memref<786432xf32, #tpu.memory_space<hbm>> -> memref<8192xf32, #tpu.memory_space<hbm>>
    tpu.enqueue_dma source(%dma_start3A_33 : memref<8192xf32, #tpu.memory_space<hbm>>) target(%dma_start3A_32 : memref<8192xf32, #tpu.memory_space<vmem>>) target_semaphore(%arg14 : memref<!tpu.dma_semaphore, #tpu.memory_space<semaphore_mem>>)
    %add3A_34 = arith.constant 524288 : i32
    %add3A_35 = arith.addi %add3A_34, %mul3A_2 : i32
    %dma_start3A_36 = arith.constant 16384 : i32
    %dma_start3A_37 = tpu.memref_slice %arg8[%dma_start3A_36] : memref<24576xf32, #tpu.memory_space<vmem>> -> memref<8192xf32, #tpu.memory_space<vmem>>
    %dma_start3A_38 = tpu.memref_slice %arg2[%add3A_35] : memref<786432xf32, #tpu.memory_space<hbm>> -> memref<8192xf32, #tpu.memory_space<hbm>>
    %dma_start3A_39 = arith.constant 16384 : i32
    %dma_start3A_40 = tpu.memref_slice %arg8[%dma_start3A_39] : memref<24576xf32, #tpu.memory_space<vmem>> -> memref<8192xf32, #tpu.memory_space<vmem>>
    %dma_start3A_41 = tpu.memref_slice %arg2[%add3A_35] : memref<786432xf32, #tpu.memory_space<hbm>> -> memref<8192xf32, #tpu.memory_space<hbm>>
    tpu.enqueue_dma source(%dma_start3A_41 : memref<8192xf32, #tpu.memory_space<hbm>>) target(%dma_start3A_40 : memref<8192xf32, #tpu.memory_space<vmem>>) target_semaphore(%arg15 : memref<!tpu.dma_semaphore, #tpu.memory_space<semaphore_mem>>)
    %dma_start3A_42 = arith.constant 16384 : i32
    %dma_start3A_43 = tpu.memref_slice %arg9[%dma_start3A_42] : memref<24576xf32, #tpu.memory_space<vmem>> -> memref<8192xf32, #tpu.memory_space<vmem>>
    %dma_start3A_44 = tpu.memref_slice %arg3[%add3A_35] : memref<786432xf32, #tpu.memory_space<hbm>> -> memref<8192xf32, #tpu.memory_space<hbm>>
    %dma_start3A_45 = arith.constant 16384 : i32
    %dma_start3A_46 = tpu.memref_slice %arg9[%dma_start3A_45] : memref<24576xf32, #tpu.memory_space<vmem>> -> memref<8192xf32, #tpu.memory_space<vmem>>
    %dma_start3A_47 = tpu.memref_slice %arg3[%add3A_35] : memref<786432xf32, #tpu.memory_space<hbm>> -> memref<8192xf32, #tpu.memory_space<hbm>>
    tpu.enqueue_dma source(%dma_start3A_47 : memref<8192xf32, #tpu.memory_space<hbm>>) target(%dma_start3A_46 : memref<8192xf32, #tpu.memory_space<vmem>>) target_semaphore(%arg15 : memref<!tpu.dma_semaphore, #tpu.memory_space<semaphore_mem>>)
    %dma_wait3A = tpu.memref_slice %arg4[%mul3A_2] : memref<262144xf32, #tpu.memory_space<hbm>> -> memref<8192xf32, #tpu.memory_space<hbm>>
    %dma_wait3A_48 = tpu.memref_slice %arg4[%mul3A_2] : memref<262144xf32, #tpu.memory_space<hbm>> -> memref<8192xf32, #tpu.memory_space<hbm>>
    tpu.wait_dma2 semaphore(%arg12 : memref<!tpu.dma_semaphore, #tpu.memory_space<semaphore_mem>>) src(%dma_wait3A_48 : memref<8192xf32, #tpu.memory_space<hbm>>) dst(%arg10 : memref<8192xf32, #tpu.memory_space<vmem>>)
    %dma_wait3A_49 = tpu.memref_slice %arg5[%mul3A_2] : memref<262144xf32, #tpu.memory_space<hbm>> -> memref<8192xf32, #tpu.memory_space<hbm>>
    %dma_wait3A_50 = tpu.memref_slice %arg5[%mul3A_2] : memref<262144xf32, #tpu.memory_space<hbm>> -> memref<8192xf32, #tpu.memory_space<hbm>>
    tpu.wait_dma2 semaphore(%arg12 : memref<!tpu.dma_semaphore, #tpu.memory_space<semaphore_mem>>) src(%dma_wait3A_50 : memref<8192xf32, #tpu.memory_space<hbm>>) dst(%arg11 : memref<8192xf32, #tpu.memory_space<vmem>>)
    %dma_wait3A_51 = arith.constant 0 : i32
    %dma_wait3A_52 = tpu.memref_slice %arg8[%dma_wait3A_51] : memref<24576xf32, #tpu.memory_space<vmem>> -> memref<8192xf32, #tpu.memory_space<vmem>>
    %dma_wait3A_53 = tpu.memref_slice %arg2[%add3A_7] : memref<786432xf32, #tpu.memory_space<hbm>> -> memref<8192xf32, #tpu.memory_space<hbm>>
    %dma_wait3A_54 = arith.constant 0 : i32
    %dma_wait3A_55 = tpu.memref_slice %arg8[%dma_wait3A_54] : memref<24576xf32, #tpu.memory_space<vmem>> -> memref<8192xf32, #tpu.memory_space<vmem>>
    %dma_wait3A_56 = tpu.memref_slice %arg2[%add3A_7] : memref<786432xf32, #tpu.memory_space<hbm>> -> memref<8192xf32, #tpu.memory_space<hbm>>
    tpu.wait_dma2 semaphore(%arg13 : memref<!tpu.dma_semaphore, #tpu.memory_space<semaphore_mem>>) src(%dma_wait3A_56 : memref<8192xf32, #tpu.memory_space<hbm>>) dst(%dma_wait3A_55 : memref<8192xf32, #tpu.memory_space<vmem>>)
    %dma_wait3A_57 = arith.constant 0 : i32
    %dma_wait3A_58 = tpu.memref_slice %arg9[%dma_wait3A_57] : memref<24576xf32, #tpu.memory_space<vmem>> -> memref<8192xf32, #tpu.memory_space<vmem>>
    %dma_wait3A_59 = tpu.memref_slice %arg3[%add3A_7] : memref<786432xf32, #tpu.memory_space<hbm>> -> memref<8192xf32, #tpu.memory_space<hbm>>
    %dma_wait3A_60 = arith.constant 0 : i32
    %dma_wait3A_61 = tpu.memref_slice %arg9[%dma_wait3A_60] : memref<24576xf32, #tpu.memory_space<vmem>> -> memref<8192xf32, #tpu.memory_space<vmem>>
    %dma_wait3A_62 = tpu.memref_slice %arg3[%add3A_7] : memref<786432xf32, #tpu.memory_space<hbm>> -> memref<8192xf32, #tpu.memory_space<hbm>>
    tpu.wait_dma2 semaphore(%arg13 : memref<!tpu.dma_semaphore, #tpu.memory_space<semaphore_mem>>) src(%dma_wait3A_62 : memref<8192xf32, #tpu.memory_space<hbm>>) dst(%dma_wait3A_61 : memref<8192xf32, #tpu.memory_space<vmem>>)
    %parallel_loop3A = arith.constant 0 : i32
    %parallel_loop3A_63 = arith.constant 8192 : i32
    %parallel_loop3A_64 = arith.constant 16 : i32
    scf.for %parallel_loop3A_173 = %parallel_loop3A to %parallel_loop3A_63 step %parallel_loop3A_64  : i32 {
      %parallel_loop3A_174 = arith.constant 0 : i32
      %parallel_loop3A_175 = arith.addi %parallel_loop3A_174, %parallel_loop3A_173 : i32
      %parallel_loop3A_176 = arith.index_cast %parallel_loop3A_175 : i32 to index
      %parallel_loop3A_177 = tpu.vector_load %arg8[%parallel_loop3A_176] {strides = array<i32>} : memref<24576xf32, #tpu.memory_space<vmem>>, vector<16xf32>,
      %parallel_loop3A_178 = vector.shape_cast %parallel_loop3A_177 : vector<16xf32> to vector<16xf32>
      %parallel_loop3A_179 = arith.constant 5.000000e-01 : f32
      %parallel_loop3A_180 = vector.broadcast %parallel_loop3A_179 : f32 to vector<16xf32>
      %parallel_loop3A_181 = arith.mulf %parallel_loop3A_178, %parallel_loop3A_180 : vector<16xf32>
      %parallel_loop3A_182 = arith.constant 5.000000e-01 : f32
      %parallel_loop3A_183 = vector.broadcast %parallel_loop3A_182 : f32 to vector<16xf32>
      %parallel_loop3A_184 = arith.addf %parallel_loop3A_181, %parallel_loop3A_183 : vector<16xf32>
      %parallel_loop3A_185 = arith.constant 0.000000e+00 : f32
      %parallel_loop3A_186 = arith.constant 1.000000e+00 : f32
      %parallel_loop3A_187 = vector.broadcast %parallel_loop3A_185 : f32 to vector<16xf32>
      %parallel_loop3A_188 = arith.maximumf %parallel_loop3A_187, %parallel_loop3A_184 : vector<16xf32>
      %parallel_loop3A_189 = vector.broadcast %parallel_loop3A_186 : f32 to vector<16xf32>
      %parallel_loop3A_190 = arith.minimumf %parallel_loop3A_189, %parallel_loop3A_188 : vector<16xf32>
      %parallel_loop3A_191 = arith.index_cast %parallel_loop3A_173 : i32 to index
      %parallel_loop3A_192 = tpu.vector_load %arg11[%parallel_loop3A_191] {strides = array<i32>} : memref<8192xf32, #tpu.memory_space<vmem>>, vector<16xf32>,
      %parallel_loop3A_193 = vector.shape_cast %parallel_loop3A_192 : vector<16xf32> to vector<16xf32>
      %parallel_loop3A_194 = arith.constant 0.00392156886 : f32
      %parallel_loop3A_195 = vector.broadcast %parallel_loop3A_194 : f32 to vector<16xf32>
      %parallel_loop3A_196 = arith.mulf %parallel_loop3A_193, %parallel_loop3A_195 : vector<16xf32>
      %parallel_loop3A_197 = arith.mulf %parallel_loop3A_190, %parallel_loop3A_196 : vector<16xf32>
      %parallel_loop3A_198 = arith.index_cast %parallel_loop3A_175 : i32 to index
      %parallel_loop3A_199 = tpu.vector_load %arg8[%parallel_loop3A_198] {strides = array<i32>} : memref<24576xf32, #tpu.memory_space<vmem>>, vector<16xf32>,
      %parallel_loop3A_200 = vector.shape_cast %parallel_loop3A_199 : vector<16xf32> to vector<16xf32>
      %parallel_loop3A_201 = vector.shape_cast %parallel_loop3A_197 : vector<16xf32> to vector<16xf32>
      tpu.vector_store %arg8[%parallel_loop3A_198], %parallel_loop3A_201 {strides = array<i32>} : memref<24576xf32, #tpu.memory_space<vmem>>, vector<16xf32>,
      %parallel_loop3A_202 = arith.index_cast %parallel_loop3A_175 : i32 to index
      %parallel_loop3A_203 = tpu.vector_load %arg9[%parallel_loop3A_202] {strides = array<i32>} : memref<24576xf32, #tpu.memory_space<vmem>>, vector<16xf32>,
      %parallel_loop3A_204 = vector.shape_cast %parallel_loop3A_203 : vector<16xf32> to vector<16xf32>
      %parallel_loop3A_205 = arith.constant 5.000000e-01 : f32
      %parallel_loop3A_206 = vector.broadcast %parallel_loop3A_205 : f32 to vector<16xf32>
      %parallel_loop3A_207 = arith.mulf %parallel_loop3A_204, %parallel_loop3A_206 : vector<16xf32>
      %parallel_loop3A_208 = arith.constant 5.000000e-01 : f32
      %parallel_loop3A_209 = vector.broadcast %parallel_loop3A_208 : f32 to vector<16xf32>
      %parallel_loop3A_210 = arith.addf %parallel_loop3A_207, %parallel_loop3A_209 : vector<16xf32>
      %parallel_loop3A_211 = arith.constant 0.000000e+00 : f32
      %parallel_loop3A_212 = arith.constant 1.000000e+00 : f32
      %parallel_loop3A_213 = vector.broadcast %parallel_loop3A_211 : f32 to vector<16xf32>
      %parallel_loop3A_214 = arith.maximumf %parallel_loop3A_213, %parallel_loop3A_210 : vector<16xf32>
      %parallel_loop3A_215 = vector.broadcast %parallel_loop3A_212 : f32 to vector<16xf32>
      %parallel_loop3A_216 = arith.minimumf %parallel_loop3A_215, %parallel_loop3A_214 : vector<16xf32>
      %parallel_loop3A_217 = arith.index_cast %parallel_loop3A_173 : i32 to index
      %parallel_loop3A_218 = tpu.vector_load %arg10[%parallel_loop3A_217] {strides = array<i32>} : memref<8192xf32, #tpu.memory_space<vmem>>, vector<16xf32>,
      %parallel_loop3A_219 = vector.shape_cast %parallel_loop3A_218 : vector<16xf32> to vector<16xf32>
      %parallel_loop3A_220 = arith.constant 0.00392156886 : f32
      %parallel_loop3A_221 = vector.broadcast %parallel_loop3A_220 : f32 to vector<16xf32>
      %parallel_loop3A_222 = arith.mulf %parallel_loop3A_219, %parallel_loop3A_221 : vector<16xf32>
      %parallel_loop3A_223 = arith.mulf %parallel_loop3A_216, %parallel_loop3A_222 : vector<16xf32>
      %parallel_loop3A_224 = arith.index_cast %parallel_loop3A_175 : i32 to index
      %parallel_loop3A_225 = tpu.vector_load %arg9[%parallel_loop3A_224] {strides = array<i32>} : memref<24576xf32, #tpu.memory_space<vmem>>, vector<16xf32>,
      %parallel_loop3A_226 = vector.shape_cast %parallel_loop3A_225 : vector<16xf32> to vector<16xf32>
      %parallel_loop3A_227 = vector.shape_cast %parallel_loop3A_223 : vector<16xf32> to vector<16xf32>
      tpu.vector_store %arg9[%parallel_loop3A_224], %parallel_loop3A_227 {strides = array<i32>} : memref<24576xf32, #tpu.memory_space<vmem>>, vector<16xf32>,
    } {sc.loop_unroll_factor = 8 : i64, sc.parallel_access}
    %add3A_65 = arith.constant 0 : i32
    %add3A_66 = arith.addi %add3A_65, %mul3A_2 : i32
    %dma_start3A_67 = arith.constant 0 : i32
    %dma_start3A_68 = tpu.memref_slice %arg8[%dma_start3A_67] : memref<24576xf32, #tpu.memory_space<vmem>> -> memref<8192xf32, #tpu.memory_space<vmem>>
    %dma_start3A_69 = tpu.memref_slice %arg6[%add3A_66] : memref<786432xf32, #tpu.memory_space<hbm>> -> memref<8192xf32, #tpu.memory_space<hbm>>
    %dma_start3A_70 = tpu.memref_slice %arg6[%add3A_66] : memref<786432xf32, #tpu.memory_space<hbm>> -> memref<8192xf32, #tpu.memory_space<hbm>>
    %dma_start3A_71 = arith.constant 0 : i32
    %dma_start3A_72 = tpu.memref_slice %arg8[%dma_start3A_71] : memref<24576xf32, #tpu.memory_space<vmem>> -> memref<8192xf32, #tpu.memory_space<vmem>>
    tpu.enqueue_dma source(%dma_start3A_72 : memref<8192xf32, #tpu.memory_space<vmem>>) target(%dma_start3A_70 : memref<8192xf32, #tpu.memory_space<hbm>>) target_semaphore(%arg16 : memref<!tpu.dma_semaphore, #tpu.memory_space<semaphore_mem>>)
    %dma_start3A_73 = arith.constant 0 : i32
    %dma_start3A_74 = tpu.memref_slice %arg9[%dma_start3A_73] : memref<24576xf32, #tpu.memory_space<vmem>> -> memref<8192xf32, #tpu.memory_space<vmem>>
    %dma_start3A_75 = tpu.memref_slice %arg7[%add3A_66] : memref<786432xf32, #tpu.memory_space<hbm>> -> memref<8192xf32, #tpu.memory_space<hbm>>
    %dma_start3A_76 = tpu.memref_slice %arg7[%add3A_66] : memref<786432xf32, #tpu.memory_space<hbm>> -> memref<8192xf32, #tpu.memory_space<hbm>>
    %dma_start3A_77 = arith.constant 0 : i32
    %dma_start3A_78 = tpu.memref_slice %arg9[%dma_start3A_77] : memref<24576xf32, #tpu.memory_space<vmem>> -> memref<8192xf32, #tpu.memory_space<vmem>>
    tpu.enqueue_dma source(%dma_start3A_78 : memref<8192xf32, #tpu.memory_space<vmem>>) target(%dma_start3A_76 : memref<8192xf32, #tpu.memory_space<hbm>>) target_semaphore(%arg16 : memref<!tpu.dma_semaphore, #tpu.memory_space<semaphore_mem>>)
    %dma_wait3A_79 = arith.constant 8192 : i32
    %dma_wait3A_80 = tpu.memref_slice %arg8[%dma_wait3A_79] : memref<24576xf32, #tpu.memory_space<vmem>> -> memref<8192xf32, #tpu.memory_space<vmem>>
    %dma_wait3A_81 = tpu.memref_slice %arg2[%add3A_21] : memref<786432xf32, #tpu.memory_space<hbm>> -> memref<8192xf32, #tpu.memory_space<hbm>>
    %dma_wait3A_82 = arith.constant 8192 : i32
    %dma_wait3A_83 = tpu.memref_slice %arg8[%dma_wait3A_82] : memref<24576xf32, #tpu.memory_space<vmem>> -> memref<8192xf32, #tpu.memory_space<vmem>>
    %dma_wait3A_84 = tpu.memref_slice %arg2[%add3A_21] : memref<786432xf32, #tpu.memory_space<hbm>> -> memref<8192xf32, #tpu.memory_space<hbm>>
    tpu.wait_dma2 semaphore(%arg14 : memref<!tpu.dma_semaphore, #tpu.memory_space<semaphore_mem>>) src(%dma_wait3A_84 : memref<8192xf32, #tpu.memory_space<hbm>>) dst(%dma_wait3A_83 : memref<8192xf32, #tpu.memory_space<vmem>>)
    %dma_wait3A_85 = arith.constant 8192 : i32
    %dma_wait3A_86 = tpu.memref_slice %arg9[%dma_wait3A_85] : memref<24576xf32, #tpu.memory_space<vmem>> -> memref<8192xf32, #tpu.memory_space<vmem>>
    %dma_wait3A_87 = tpu.memref_slice %arg3[%add3A_21] : memref<786432xf32, #tpu.memory_space<hbm>> -> memref<8192xf32, #tpu.memory_space<hbm>>
    %dma_wait3A_88 = arith.constant 8192 : i32
    %dma_wait3A_89 = tpu.memref_slice %arg9[%dma_wait3A_88] : memref<24576xf32, #tpu.memory_space<vmem>> -> memref<8192xf32, #tpu.memory_space<vmem>>
    %dma_wait3A_90 = tpu.memref_slice %arg3[%add3A_21] : memref<786432xf32, #tpu.memory_space<hbm>> -> memref<8192xf32, #tpu.memory_space<hbm>>
    tpu.wait_dma2 semaphore(%arg14 : memref<!tpu.dma_semaphore, #tpu.memory_space<semaphore_mem>>) src(%dma_wait3A_90 : memref<8192xf32, #tpu.memory_space<hbm>>) dst(%dma_wait3A_89 : memref<8192xf32, #tpu.memory_space<vmem>>)
    %parallel_loop3A_91 = arith.constant 0 : i32
    %parallel_loop3A_92 = arith.constant 8192 : i32
    %parallel_loop3A_93 = arith.constant 16 : i32
    scf.for %parallel_loop3A_173 = %parallel_loop3A_91 to %parallel_loop3A_92 step %parallel_loop3A_93  : i32 {
      %parallel_loop3A_174 = arith.constant 8192 : i32
      %parallel_loop3A_175 = arith.addi %parallel_loop3A_174, %parallel_loop3A_173 : i32
      %parallel_loop3A_176 = arith.index_cast %parallel_loop3A_175 : i32 to index
      %parallel_loop3A_177 = tpu.vector_load %arg8[%parallel_loop3A_176] {strides = array<i32>} : memref<24576xf32, #tpu.memory_space<vmem>>, vector<16xf32>,
      %parallel_loop3A_178 = vector.shape_cast %parallel_loop3A_177 : vector<16xf32> to vector<16xf32>
      %parallel_loop3A_179 = arith.constant 5.000000e-01 : f32
      %parallel_loop3A_180 = vector.broadcast %parallel_loop3A_179 : f32 to vector<16xf32>
      %parallel_loop3A_181 = arith.mulf %parallel_loop3A_178, %parallel_loop3A_180 : vector<16xf32>
      %parallel_loop3A_182 = arith.constant 5.000000e-01 : f32
      %parallel_loop3A_183 = vector.broadcast %parallel_loop3A_182 : f32 to vector<16xf32>
      %parallel_loop3A_184 = arith.addf %parallel_loop3A_181, %parallel_loop3A_183 : vector<16xf32>
      %parallel_loop3A_185 = arith.constant 0.000000e+00 : f32
      %parallel_loop3A_186 = arith.constant 1.000000e+00 : f32
      %parallel_loop3A_187 = vector.broadcast %parallel_loop3A_185 : f32 to vector<16xf32>
      %parallel_loop3A_188 = arith.maximumf %parallel_loop3A_187, %parallel_loop3A_184 : vector<16xf32>
      %parallel_loop3A_189 = vector.broadcast %parallel_loop3A_186 : f32 to vector<16xf32>
      %parallel_loop3A_190 = arith.minimumf %parallel_loop3A_189, %parallel_loop3A_188 : vector<16xf32>
      %parallel_loop3A_191 = arith.index_cast %parallel_loop3A_173 : i32 to index
      %parallel_loop3A_192 = tpu.vector_load %arg11[%parallel_loop3A_191] {strides = array<i32>} : memref<8192xf32, #tpu.memory_space<vmem>>, vector<16xf32>,
      %parallel_loop3A_193 = vector.shape_cast %parallel_loop3A_192 : vector<16xf32> to vector<16xf32>
      %parallel_loop3A_194 = arith.constant 0.00392156886 : f32
      %parallel_loop3A_195 = vector.broadcast %parallel_loop3A_194 : f32 to vector<16xf32>
      %parallel_loop3A_196 = arith.mulf %parallel_loop3A_193, %parallel_loop3A_195 : vector<16xf32>
      %parallel_loop3A_197 = arith.mulf %parallel_loop3A_190, %parallel_loop3A_196 : vector<16xf32>
      %parallel_loop3A_198 = arith.index_cast %parallel_loop3A_175 : i32 to index
      %parallel_loop3A_199 = tpu.vector_load %arg8[%parallel_loop3A_198] {strides = array<i32>} : memref<24576xf32, #tpu.memory_space<vmem>>, vector<16xf32>,
      %parallel_loop3A_200 = vector.shape_cast %parallel_loop3A_199 : vector<16xf32> to vector<16xf32>
      %parallel_loop3A_201 = vector.shape_cast %parallel_loop3A_197 : vector<16xf32> to vector<16xf32>
      tpu.vector_store %arg8[%parallel_loop3A_198], %parallel_loop3A_201 {strides = array<i32>} : memref<24576xf32, #tpu.memory_space<vmem>>, vector<16xf32>,
      %parallel_loop3A_202 = arith.index_cast %parallel_loop3A_175 : i32 to index
      %parallel_loop3A_203 = tpu.vector_load %arg9[%parallel_loop3A_202] {strides = array<i32>} : memref<24576xf32, #tpu.memory_space<vmem>>, vector<16xf32>,
      %parallel_loop3A_204 = vector.shape_cast %parallel_loop3A_203 : vector<16xf32> to vector<16xf32>
      %parallel_loop3A_205 = arith.constant 5.000000e-01 : f32
      %parallel_loop3A_206 = vector.broadcast %parallel_loop3A_205 : f32 to vector<16xf32>
      %parallel_loop3A_207 = arith.mulf %parallel_loop3A_204, %parallel_loop3A_206 : vector<16xf32>
      %parallel_loop3A_208 = arith.constant 5.000000e-01 : f32
      %parallel_loop3A_209 = vector.broadcast %parallel_loop3A_208 : f32 to vector<16xf32>
      %parallel_loop3A_210 = arith.addf %parallel_loop3A_207, %parallel_loop3A_209 : vector<16xf32>
      %parallel_loop3A_211 = arith.constant 0.000000e+00 : f32
      %parallel_loop3A_212 = arith.constant 1.000000e+00 : f32
      %parallel_loop3A_213 = vector.broadcast %parallel_loop3A_211 : f32 to vector<16xf32>
      %parallel_loop3A_214 = arith.maximumf %parallel_loop3A_213, %parallel_loop3A_210 : vector<16xf32>
      %parallel_loop3A_215 = vector.broadcast %parallel_loop3A_212 : f32 to vector<16xf32>
      %parallel_loop3A_216 = arith.minimumf %parallel_loop3A_215, %parallel_loop3A_214 : vector<16xf32>
      %parallel_loop3A_217 = arith.index_cast %parallel_loop3A_173 : i32 to index
      %parallel_loop3A_218 = tpu.vector_load %arg10[%parallel_loop3A_217] {strides = array<i32>} : memref<8192xf32, #tpu.memory_space<vmem>>, vector<16xf32>,
      %parallel_loop3A_219 = vector.shape_cast %parallel_loop3A_218 : vector<16xf32> to vector<16xf32>
      %parallel_loop3A_220 = arith.constant 0.00392156886 : f32
      %parallel_loop3A_221 = vector.broadcast %parallel_loop3A_220 : f32 to vector<16xf32>
      %parallel_loop3A_222 = arith.mulf %parallel_loop3A_219, %parallel_loop3A_221 : vector<16xf32>
      %parallel_loop3A_223 = arith.mulf %parallel_loop3A_216, %parallel_loop3A_222 : vector<16xf32>
      %parallel_loop3A_224 = arith.index_cast %parallel_loop3A_175 : i32 to index
      %parallel_loop3A_225 = tpu.vector_load %arg9[%parallel_loop3A_224] {strides = array<i32>} : memref<24576xf32, #tpu.memory_space<vmem>>, vector<16xf32>,
      %parallel_loop3A_226 = vector.shape_cast %parallel_loop3A_225 : vector<16xf32> to vector<16xf32>
      %parallel_loop3A_227 = vector.shape_cast %parallel_loop3A_223 : vector<16xf32> to vector<16xf32>
      tpu.vector_store %arg9[%parallel_loop3A_224], %parallel_loop3A_227 {strides = array<i32>} : memref<24576xf32, #tpu.memory_space<vmem>>, vector<16xf32>,
    } {sc.loop_unroll_factor = 8 : i64, sc.parallel_access}
    %add3A_94 = arith.constant 262144 : i32
    %add3A_95 = arith.addi %add3A_94, %mul3A_2 : i32
    %dma_start3A_96 = arith.constant 8192 : i32
    %dma_start3A_97 = tpu.memref_slice %arg8[%dma_start3A_96] : memref<24576xf32, #tpu.memory_space<vmem>> -> memref<8192xf32, #tpu.memory_space<vmem>>
    %dma_start3A_98 = tpu.memref_slice %arg6[%add3A_95] : memref<786432xf32, #tpu.memory_space<hbm>> -> memref<8192xf32, #tpu.memory_space<hbm>>
    %dma_start3A_99 = tpu.memref_slice %arg6[%add3A_95] : memref<786432xf32, #tpu.memory_space<hbm>> -> memref<8192xf32, #tpu.memory_space<hbm>>
    %dma_start3A_100 = arith.constant 8192 : i32
    %dma_start3A_101 = tpu.memref_slice %arg8[%dma_start3A_100] : memref<24576xf32, #tpu.memory_space<vmem>> -> memref<8192xf32, #tpu.memory_space<vmem>>
    tpu.enqueue_dma source(%dma_start3A_101 : memref<8192xf32, #tpu.memory_space<vmem>>) target(%dma_start3A_99 : memref<8192xf32, #tpu.memory_space<hbm>>) target_semaphore(%arg16 : memref<!tpu.dma_semaphore, #tpu.memory_space<semaphore_mem>>)
    %dma_start3A_102 = arith.constant 8192 : i32
    %dma_start3A_103 = tpu.memref_slice %arg9[%dma_start3A_102] : memref<24576xf32, #tpu.memory_space<vmem>> -> memref<8192xf32, #tpu.memory_space<vmem>>
    %dma_start3A_104 = tpu.memref_slice %arg7[%add3A_95] : memref<786432xf32, #tpu.memory_space<hbm>> -> memref<8192xf32, #tpu.memory_space<hbm>>
    %dma_start3A_105 = tpu.memref_slice %arg7[%add3A_95] : memref<786432xf32, #tpu.memory_space<hbm>> -> memref<8192xf32, #tpu.memory_space<hbm>>
    %dma_start3A_106 = arith.constant 8192 : i32
    %dma_start3A_107 = tpu.memref_slice %arg9[%dma_start3A_106] : memref<24576xf32, #tpu.memory_space<vmem>> -> memref<8192xf32, #tpu.memory_space<vmem>>
    tpu.enqueue_dma source(%dma_start3A_107 : memref<8192xf32, #tpu.memory_space<vmem>>) target(%dma_start3A_105 : memref<8192xf32, #tpu.memory_space<hbm>>) target_semaphore(%arg16 : memref<!tpu.dma_semaphore, #tpu.memory_space<semaphore_mem>>)
    %dma_wait3A_108 = arith.constant 16384 : i32
    %dma_wait3A_109 = tpu.memref_slice %arg8[%dma_wait3A_108] : memref<24576xf32, #tpu.memory_space<vmem>> -> memref<8192xf32, #tpu.memory_space<vmem>>
    %dma_wait3A_110 = tpu.memref_slice %arg2[%add3A_35] : memref<786432xf32, #tpu.memory_space<hbm>> -> memref<8192xf32, #tpu.memory_space<hbm>>
    %dma_wait3A_111 = arith.constant 16384 : i32
    %dma_wait3A_112 = tpu.memref_slice %arg8[%dma_wait3A_111] : memref<24576xf32, #tpu.memory_space<vmem>> -> memref<8192xf32, #tpu.memory_space<vmem>>
    %dma_wait3A_113 = tpu.memref_slice %arg2[%add3A_35] : memref<786432xf32, #tpu.memory_space<hbm>> -> memref<8192xf32, #tpu.memory_space<hbm>>
    tpu.wait_dma2 semaphore(%arg15 : memref<!tpu.dma_semaphore, #tpu.memory_space<semaphore_mem>>) src(%dma_wait3A_113 : memref<8192xf32, #tpu.memory_space<hbm>>) dst(%dma_wait3A_112 : memref<8192xf32, #tpu.memory_space<vmem>>)
    %dma_wait3A_114 = arith.constant 16384 : i32
    %dma_wait3A_115 = tpu.memref_slice %arg9[%dma_wait3A_114] : memref<24576xf32, #tpu.memory_space<vmem>> -> memref<8192xf32, #tpu.memory_space<vmem>>
    %dma_wait3A_116 = tpu.memref_slice %arg3[%add3A_35] : memref<786432xf32, #tpu.memory_space<hbm>> -> memref<8192xf32, #tpu.memory_space<hbm>>
    %dma_wait3A_117 = arith.constant 16384 : i32
    %dma_wait3A_118 = tpu.memref_slice %arg9[%dma_wait3A_117] : memref<24576xf32, #tpu.memory_space<vmem>> -> memref<8192xf32, #tpu.memory_space<vmem>>
    %dma_wait3A_119 = tpu.memref_slice %arg3[%add3A_35] : memref<786432xf32, #tpu.memory_space<hbm>> -> memref<8192xf32, #tpu.memory_space<hbm>>
    tpu.wait_dma2 semaphore(%arg15 : memref<!tpu.dma_semaphore, #tpu.memory_space<semaphore_mem>>) src(%dma_wait3A_119 : memref<8192xf32, #tpu.memory_space<hbm>>) dst(%dma_wait3A_118 : memref<8192xf32, #tpu.memory_space<vmem>>)
    %parallel_loop3A_120 = arith.constant 0 : i32
    %parallel_loop3A_121 = arith.constant 8192 : i32
    %parallel_loop3A_122 = arith.constant 16 : i32
    scf.for %parallel_loop3A_173 = %parallel_loop3A_120 to %parallel_loop3A_121 step %parallel_loop3A_122  : i32 {
      %parallel_loop3A_174 = arith.constant 16384 : i32
      %parallel_loop3A_175 = arith.addi %parallel_loop3A_174, %parallel_loop3A_173 : i32
      %parallel_loop3A_176 = arith.index_cast %parallel_loop3A_175 : i32 to index
      %parallel_loop3A_177 = tpu.vector_load %arg8[%parallel_loop3A_176] {strides = array<i32>} : memref<24576xf32, #tpu.memory_space<vmem>>, vector<16xf32>,
      %parallel_loop3A_178 = vector.shape_cast %parallel_loop3A_177 : vector<16xf32> to vector<16xf32>
      %parallel_loop3A_179 = arith.constant 5.000000e-01 : f32
      %parallel_loop3A_180 = vector.broadcast %parallel_loop3A_179 : f32 to vector<16xf32>
      %parallel_loop3A_181 = arith.mulf %parallel_loop3A_178, %parallel_loop3A_180 : vector<16xf32>
      %parallel_loop3A_182 = arith.constant 5.000000e-01 : f32
      %parallel_loop3A_183 = vector.broadcast %parallel_loop3A_182 : f32 to vector<16xf32>
      %parallel_loop3A_184 = arith.addf %parallel_loop3A_181, %parallel_loop3A_183 : vector<16xf32>
      %parallel_loop3A_185 = arith.constant 0.000000e+00 : f32
      %parallel_loop3A_186 = arith.constant 1.000000e+00 : f32
      %parallel_loop3A_187 = vector.broadcast %parallel_loop3A_185 : f32 to vector<16xf32>
      %parallel_loop3A_188 = arith.maximumf %parallel_loop3A_187, %parallel_loop3A_184 : vector<16xf32>
      %parallel_loop3A_189 = vector.broadcast %parallel_loop3A_186 : f32 to vector<16xf32>
      %parallel_loop3A_190 = arith.minimumf %parallel_loop3A_189, %parallel_loop3A_188 : vector<16xf32>
      %parallel_loop3A_191 = arith.index_cast %parallel_loop3A_173 : i32 to index
      %parallel_loop3A_192 = tpu.vector_load %arg11[%parallel_loop3A_191] {strides = array<i32>} : memref<8192xf32, #tpu.memory_space<vmem>>, vector<16xf32>,
      %parallel_loop3A_193 = vector.shape_cast %parallel_loop3A_192 : vector<16xf32> to vector<16xf32>
      %parallel_loop3A_194 = arith.constant 0.00392156886 : f32
      %parallel_loop3A_195 = vector.broadcast %parallel_loop3A_194 : f32 to vector<16xf32>
      %parallel_loop3A_196 = arith.mulf %parallel_loop3A_193, %parallel_loop3A_195 : vector<16xf32>
      %parallel_loop3A_197 = arith.mulf %parallel_loop3A_190, %parallel_loop3A_196 : vector<16xf32>
      %parallel_loop3A_198 = arith.index_cast %parallel_loop3A_175 : i32 to index
      %parallel_loop3A_199 = tpu.vector_load %arg8[%parallel_loop3A_198] {strides = array<i32>} : memref<24576xf32, #tpu.memory_space<vmem>>, vector<16xf32>,
      %parallel_loop3A_200 = vector.shape_cast %parallel_loop3A_199 : vector<16xf32> to vector<16xf32>
      %parallel_loop3A_201 = vector.shape_cast %parallel_loop3A_197 : vector<16xf32> to vector<16xf32>
      tpu.vector_store %arg8[%parallel_loop3A_198], %parallel_loop3A_201 {strides = array<i32>} : memref<24576xf32, #tpu.memory_space<vmem>>, vector<16xf32>,
      %parallel_loop3A_202 = arith.index_cast %parallel_loop3A_175 : i32 to index
      %parallel_loop3A_203 = tpu.vector_load %arg9[%parallel_loop3A_202] {strides = array<i32>} : memref<24576xf32, #tpu.memory_space<vmem>>, vector<16xf32>,
      %parallel_loop3A_204 = vector.shape_cast %parallel_loop3A_203 : vector<16xf32> to vector<16xf32>
      %parallel_loop3A_205 = arith.constant 5.000000e-01 : f32
      %parallel_loop3A_206 = vector.broadcast %parallel_loop3A_205 : f32 to vector<16xf32>
      %parallel_loop3A_207 = arith.mulf %parallel_loop3A_204, %parallel_loop3A_206 : vector<16xf32>
      %parallel_loop3A_208 = arith.constant 5.000000e-01 : f32
      %parallel_loop3A_209 = vector.broadcast %parallel_loop3A_208 : f32 to vector<16xf32>
      %parallel_loop3A_210 = arith.addf %parallel_loop3A_207, %parallel_loop3A_209 : vector<16xf32>
      %parallel_loop3A_211 = arith.constant 0.000000e+00 : f32
      %parallel_loop3A_212 = arith.constant 1.000000e+00 : f32
      %parallel_loop3A_213 = vector.broadcast %parallel_loop3A_211 : f32 to vector<16xf32>
      %parallel_loop3A_214 = arith.maximumf %parallel_loop3A_213, %parallel_loop3A_210 : vector<16xf32>
      %parallel_loop3A_215 = vector.broadcast %parallel_loop3A_212 : f32 to vector<16xf32>
      %parallel_loop3A_216 = arith.minimumf %parallel_loop3A_215, %parallel_loop3A_214 : vector<16xf32>
      %parallel_loop3A_217 = arith.index_cast %parallel_loop3A_173 : i32 to index
      %parallel_loop3A_218 = tpu.vector_load %arg10[%parallel_loop3A_217] {strides = array<i32>} : memref<8192xf32, #tpu.memory_space<vmem>>, vector<16xf32>,
      %parallel_loop3A_219 = vector.shape_cast %parallel_loop3A_218 : vector<16xf32> to vector<16xf32>
      %parallel_loop3A_220 = arith.constant 0.00392156886 : f32
      %parallel_loop3A_221 = vector.broadcast %parallel_loop3A_220 : f32 to vector<16xf32>
      %parallel_loop3A_222 = arith.mulf %parallel_loop3A_219, %parallel_loop3A_221 : vector<16xf32>
      %parallel_loop3A_223 = arith.mulf %parallel_loop3A_216, %parallel_loop3A_222 : vector<16xf32>
      %parallel_loop3A_224 = arith.index_cast %parallel_loop3A_175 : i32 to index
      %parallel_loop3A_225 = tpu.vector_load %arg9[%parallel_loop3A_224] {strides = array<i32>} : memref<24576xf32, #tpu.memory_space<vmem>>, vector<16xf32>,
      %parallel_loop3A_226 = vector.shape_cast %parallel_loop3A_225 : vector<16xf32> to vector<16xf32>
      %parallel_loop3A_227 = vector.shape_cast %parallel_loop3A_223 : vector<16xf32> to vector<16xf32>
      tpu.vector_store %arg9[%parallel_loop3A_224], %parallel_loop3A_227 {strides = array<i32>} : memref<24576xf32, #tpu.memory_space<vmem>>, vector<16xf32>,
    } {sc.loop_unroll_factor = 8 : i64, sc.parallel_access}
    %add3A_123 = arith.constant 524288 : i32
    %add3A_124 = arith.addi %add3A_123, %mul3A_2 : i32
    %dma_start3A_125 = arith.constant 16384 : i32
    %dma_start3A_126 = tpu.memref_slice %arg8[%dma_start3A_125] : memref<24576xf32, #tpu.memory_space<vmem>> -> memref<8192xf32, #tpu.memory_space<vmem>>
    %dma_start3A_127 = tpu.memref_slice %arg6[%add3A_124] : memref<786432xf32, #tpu.memory_space<hbm>> -> memref<8192xf32, #tpu.memory_space<hbm>>
    %dma_start3A_128 = tpu.memref_slice %arg6[%add3A_124] : memref<786432xf32, #tpu.memory_space<hbm>> -> memref<8192xf32, #tpu.memory_space<hbm>>
    %dma_start3A_129 = arith.constant 16384 : i32
    %dma_start3A_130 = tpu.memref_slice %arg8[%dma_start3A_129] : memref<24576xf32, #tpu.memory_space<vmem>> -> memref<8192xf32, #tpu.memory_space<vmem>>
    tpu.enqueue_dma source(%dma_start3A_130 : memref<8192xf32, #tpu.memory_space<vmem>>) target(%dma_start3A_128 : memref<8192xf32, #tpu.memory_space<hbm>>) target_semaphore(%arg16 : memref<!tpu.dma_semaphore, #tpu.memory_space<semaphore_mem>>)
    %dma_start3A_131 = arith.constant 16384 : i32
    %dma_start3A_132 = tpu.memref_slice %arg9[%dma_start3A_131] : memref<24576xf32, #tpu.memory_space<vmem>> -> memref<8192xf32, #tpu.memory_space<vmem>>
    %dma_start3A_133 = tpu.memref_slice %arg7[%add3A_124] : memref<786432xf32, #tpu.memory_space<hbm>> -> memref<8192xf32, #tpu.memory_space<hbm>>
    %dma_start3A_134 = tpu.memref_slice %arg7[%add3A_124] : memref<786432xf32, #tpu.memory_space<hbm>> -> memref<8192xf32, #tpu.memory_space<hbm>>
    %dma_start3A_135 = arith.constant 16384 : i32
    %dma_start3A_136 = tpu.memref_slice %arg9[%dma_start3A_135] : memref<24576xf32, #tpu.memory_space<vmem>> -> memref<8192xf32, #tpu.memory_space<vmem>>
    tpu.enqueue_dma source(%dma_start3A_136 : memref<8192xf32, #tpu.memory_space<vmem>>) target(%dma_start3A_134 : memref<8192xf32, #tpu.memory_space<hbm>>) target_semaphore(%arg16 : memref<!tpu.dma_semaphore, #tpu.memory_space<semaphore_mem>>)
    %dma_wait3A_137 = arith.constant 0 : i32
    %dma_wait3A_138 = tpu.memref_slice %arg8[%dma_wait3A_137] : memref<24576xf32, #tpu.memory_space<vmem>> -> memref<8192xf32, #tpu.memory_space<vmem>>
    %dma_wait3A_139 = tpu.memref_slice %arg6[%add3A_66] : memref<786432xf32, #tpu.memory_space<hbm>> -> memref<8192xf32, #tpu.memory_space<hbm>>
    %dma_wait3A_140 = tpu.memref_slice %arg6[%add3A_66] : memref<786432xf32, #tpu.memory_space<hbm>> -> memref<8192xf32, #tpu.memory_space<hbm>>
    %dma_wait3A_141 = arith.constant 0 : i32
    %dma_wait3A_142 = tpu.memref_slice %arg8[%dma_wait3A_141] : memref<24576xf32, #tpu.memory_space<vmem>> -> memref<8192xf32, #tpu.memory_space<vmem>>
    tpu.wait_dma2 semaphore(%arg16 : memref<!tpu.dma_semaphore, #tpu.memory_space<semaphore_mem>>) src(%dma_wait3A_142 : memref<8192xf32, #tpu.memory_space<vmem>>) dst(%dma_wait3A_140 : memref<8192xf32, #tpu.memory_space<hbm>>)
    %dma_wait3A_143 = arith.constant 0 : i32
    %dma_wait3A_144 = tpu.memref_slice %arg9[%dma_wait3A_143] : memref<24576xf32, #tpu.memory_space<vmem>> -> memref<8192xf32, #tpu.memory_space<vmem>>
    %dma_wait3A_145 = tpu.memref_slice %arg7[%add3A_66] : memref<786432xf32, #tpu.memory_space<hbm>> -> memref<8192xf32, #tpu.memory_space<hbm>>
    %dma_wait3A_146 = tpu.memref_slice %arg7[%add3A_66] : memref<786432xf32, #tpu.memory_space<hbm>> -> memref<8192xf32, #tpu.memory_space<hbm>>
    %dma_wait3A_147 = arith.constant 0 : i32
    %dma_wait3A_148 = tpu.memref_slice %arg9[%dma_wait3A_147] : memref<24576xf32, #tpu.memory_space<vmem>> -> memref<8192xf32, #tpu.memory_space<vmem>>
    tpu.wait_dma2 semaphore(%arg16 : memref<!tpu.dma_semaphore, #tpu.memory_space<semaphore_mem>>) src(%dma_wait3A_148 : memref<8192xf32, #tpu.memory_space<vmem>>) dst(%dma_wait3A_146 : memref<8192xf32, #tpu.memory_space<hbm>>)
    %dma_wait3A_149 = arith.constant 8192 : i32
    %dma_wait3A_150 = tpu.memref_slice %arg8[%dma_wait3A_149] : memref<24576xf32, #tpu.memory_space<vmem>> -> memref<8192xf32, #tpu.memory_space<vmem>>
    %dma_wait3A_151 = tpu.memref_slice %arg6[%add3A_95] : memref<786432xf32, #tpu.memory_space<hbm>> -> memref<8192xf32, #tpu.memory_space<hbm>>
    %dma_wait3A_152 = tpu.memref_slice %arg6[%add3A_95] : memref<786432xf32, #tpu.memory_space<hbm>> -> memref<8192xf32, #tpu.memory_space<hbm>>
    %dma_wait3A_153 = arith.constant 8192 : i32
    %dma_wait3A_154 = tpu.memref_slice %arg8[%dma_wait3A_153] : memref<24576xf32, #tpu.memory_space<vmem>> -> memref<8192xf32, #tpu.memory_space<vmem>>
    tpu.wait_dma2 semaphore(%arg16 : memref<!tpu.dma_semaphore, #tpu.memory_space<semaphore_mem>>) src(%dma_wait3A_154 : memref<8192xf32, #tpu.memory_space<vmem>>) dst(%dma_wait3A_152 : memref<8192xf32, #tpu.memory_space<hbm>>)
    %dma_wait3A_155 = arith.constant 8192 : i32
    %dma_wait3A_156 = tpu.memref_slice %arg9[%dma_wait3A_155] : memref<24576xf32, #tpu.memory_space<vmem>> -> memref<8192xf32, #tpu.memory_space<vmem>>
    %dma_wait3A_157 = tpu.memref_slice %arg7[%add3A_95] : memref<786432xf32, #tpu.memory_space<hbm>> -> memref<8192xf32, #tpu.memory_space<hbm>>
    %dma_wait3A_158 = tpu.memref_slice %arg7[%add3A_95] : memref<786432xf32, #tpu.memory_space<hbm>> -> memref<8192xf32, #tpu.memory_space<hbm>>
    %dma_wait3A_159 = arith.constant 8192 : i32
    %dma_wait3A_160 = tpu.memref_slice %arg9[%dma_wait3A_159] : memref<24576xf32, #tpu.memory_space<vmem>> -> memref<8192xf32, #tpu.memory_space<vmem>>
    tpu.wait_dma2 semaphore(%arg16 : memref<!tpu.dma_semaphore, #tpu.memory_space<semaphore_mem>>) src(%dma_wait3A_160 : memref<8192xf32, #tpu.memory_space<vmem>>) dst(%dma_wait3A_158 : memref<8192xf32, #tpu.memory_space<hbm>>)
    %dma_wait3A_161 = arith.constant 16384 : i32
    %dma_wait3A_162 = tpu.memref_slice %arg8[%dma_wait3A_161] : memref<24576xf32, #tpu.memory_space<vmem>> -> memref<8192xf32, #tpu.memory_space<vmem>>
    %dma_wait3A_163 = tpu.memref_slice %arg6[%add3A_124] : memref<786432xf32, #tpu.memory_space<hbm>> -> memref<8192xf32, #tpu.memory_space<hbm>>
    %dma_wait3A_164 = tpu.memref_slice %arg6[%add3A_124] : memref<786432xf32, #tpu.memory_space<hbm>> -> memref<8192xf32, #tpu.memory_space<hbm>>
    %dma_wait3A_165 = arith.constant 16384 : i32
    %dma_wait3A_166 = tpu.memref_slice %arg8[%dma_wait3A_165] : memref<24576xf32, #tpu.memory_space<vmem>> -> memref<8192xf32, #tpu.memory_space<vmem>>
    tpu.wait_dma2 semaphore(%arg16 : memref<!tpu.dma_semaphore, #tpu.memory_space<semaphore_mem>>) src(%dma_wait3A_166 : memref<8192xf32, #tpu.memory_space<vmem>>) dst(%dma_wait3A_164 : memref<8192xf32, #tpu.memory_space<hbm>>)
    %dma_wait3A_167 = arith.constant 16384 : i32
    %dma_wait3A_168 = tpu.memref_slice %arg9[%dma_wait3A_167] : memref<24576xf32, #tpu.memory_space<vmem>> -> memref<8192xf32, #tpu.memory_space<vmem>>
    %dma_wait3A_169 = tpu.memref_slice %arg7[%add3A_124] : memref<786432xf32, #tpu.memory_space<hbm>> -> memref<8192xf32, #tpu.memory_space<hbm>>
    %dma_wait3A_170 = tpu.memref_slice %arg7[%add3A_124] : memref<786432xf32, #tpu.memory_space<hbm>> -> memref<8192xf32, #tpu.memory_space<hbm>>
    %dma_wait3A_171 = arith.constant 16384 : i32
    %dma_wait3A_172 = tpu.memref_slice %arg9[%dma_wait3A_171] : memref<24576xf32, #tpu.memory_space<vmem>> -> memref<8192xf32, #tpu.memory_space<vmem>>
    tpu.wait_dma2 semaphore(%arg16 : memref<!tpu.dma_semaphore, #tpu.memory_space<semaphore_mem>>) src(%dma_wait3A_172 : memref<8192xf32, #tpu.memory_space<vmem>>) dst(%dma_wait3A_170 : memref<8192xf32, #tpu.memory_space<hbm>>)
    return
  }
}

module attributes {stable_mosaic.version = 14 : i64} {
  func.func @_tc_body(%arg0: i32, %arg1: i32, %arg2: memref<1x256x512xf32, #tpu.memory_space<vmem>>, %arg3: memref<1x256x512xf32, #tpu.memory_space<vmem>>, %arg4: memref<256x512xf32, #tpu.memory_space<vmem>>, %arg5: memref<1x256x512xf32, #tpu.memory_space<vmem>>, %arg6: memref<1x256x512xf32, #tpu.memory_space<vmem>>, %arg7: memref<1xf32, #tpu.memory_space<smem>>) attributes {dimension_semantics = [#tpu.dimension_semantics<arbitrary>, #tpu.dimension_semantics<arbitrary>], iteration_bounds = array<i64: 2, 3>, scalar_prefetch = 0 : i64, scratch_operands = 0 : i64, tpu.core_type = #tpu.core_type<tc>, window_params = [{transform_indices = @transform_0, window_bounds = array<i64: 1, 256, 512>}, {transform_indices = @transform_1, window_bounds = array<i64: 1, 256, 512>}, {transform_indices = @transform_2, window_bounds = array<i64: 256, 512>}, {transform_indices = @transform_3, window_bounds = array<i64: 1, 256, 512>}, {transform_indices = @transform_4, window_bounds = array<i64: 1, 256, 512>}, {transform_indices = @transform_5, window_bounds = array<i64: 1>}]} {
    %get3A = arith.constant 0 : index
    %get3A_0 = arith.constant 0 : index
    %get3A_1 = vector.load %arg4[%get3A, %get3A_0] : memref<256x512xf32, #tpu.memory_space<vmem>>, vector<256x512xf32>
    %mul3A = arith.constant 0.00392156886 : f32
    %mul3A_2 = vector.broadcast %mul3A : f32 to vector<256x512xf32>
    %mul3A_3 = arith.mulf %get3A_1, %mul3A_2 : vector<256x512xf32>
    %get3A_4 = arith.constant 0 : index
    %get3A_5 = arith.constant 0 : index
    %get3A_6 = arith.constant 0 : index
    %get3A_7 = vector.load %arg3[%get3A_4, %get3A_5, %get3A_6] : memref<1x256x512xf32, #tpu.memory_space<vmem>>, vector<1x256x512xf32>
    %get3A_8 = vector.shape_cast %get3A_7 : vector<1x256x512xf32> to vector<256x512xf32>
    %add3A = arith.constant 1.000000e+00 : f32
    %add3A_9 = vector.broadcast %add3A : f32 to vector<256x512xf32>
    %add3A_10 = arith.addf %get3A_8, %add3A_9 : vector<256x512xf32>
    %mul3A_11 = arith.constant 5.000000e-01 : f32
    %mul3A_12 = vector.broadcast %mul3A_11 : f32 to vector<256x512xf32>
    %mul3A_13 = arith.mulf %add3A_10, %mul3A_12 : vector<256x512xf32>
    %jit3A = arith.constant 0.000000e+00 : f32
    %jit3A_14 = arith.constant 1.000000e+00 : f32
    %max3A = vector.broadcast %jit3A : f32 to vector<256x512xf32>
    %max3A_15 = arith.maximumf %max3A, %mul3A_13 : vector<256x512xf32>
    %min3A = vector.broadcast %jit3A_14 : f32 to vector<256x512xf32>
    %min3A_16 = arith.minimumf %min3A, %max3A_15 : vector<256x512xf32>
    %get3A_17 = arith.constant 0 : index
    %get3A_18 = arith.constant 0 : index
    %get3A_19 = arith.constant 0 : index
    %get3A_20 = vector.load %arg2[%get3A_17, %get3A_18, %get3A_19] : memref<1x256x512xf32, #tpu.memory_space<vmem>>, vector<1x256x512xf32>
    %get3A_21 = vector.shape_cast %get3A_20 : vector<1x256x512xf32> to vector<256x512xf32>
    %jit3A_22 = arith.constant 0.000000e+00 : f32
    %jit3A_23 = arith.constant 1.000000e+00 : f32
    %max3A_24 = vector.broadcast %jit3A_22 : f32 to vector<256x512xf32>
    %max3A_25 = arith.maximumf %max3A_24, %get3A_21 : vector<256x512xf32>
    %min3A_26 = vector.broadcast %jit3A_23 : f32 to vector<256x512xf32>
    %min3A_27 = arith.minimumf %min3A_26, %max3A_25 : vector<256x512xf32>
    %mul3A_28 = arith.mulf %min3A_27, %mul3A_3 : vector<256x512xf32>
    %mul3A_29 = arith.mulf %min3A_16, %mul3A_3 : vector<256x512xf32>
    %swap3A = arith.constant 0 : index
    %swap3A_30 = arith.constant 0 : index
    %swap3A_31 = arith.constant 0 : index
    %swap3A_32 = vector.load %arg5[%swap3A, %swap3A_30, %swap3A_31] : memref<1x256x512xf32, #tpu.memory_space<vmem>>, vector<1x256x512xf32>
    %swap3A_33 = vector.shape_cast %swap3A_32 : vector<1x256x512xf32> to vector<256x512xf32>
    %swap3A_34 = vector.shape_cast %mul3A_28 : vector<256x512xf32> to vector<1x256x512xf32>
    tpu.vector_store %arg5[%swap3A, %swap3A_30, %swap3A_31], %swap3A_34 {strides = array<i32>} : memref<1x256x512xf32, #tpu.memory_space<vmem>>, vector<1x256x512xf32>,
    %swap3A_35 = arith.constant 0 : index
    %swap3A_36 = arith.constant 0 : index
    %swap3A_37 = arith.constant 0 : index
    %swap3A_38 = vector.load %arg6[%swap3A_35, %swap3A_36, %swap3A_37] : memref<1x256x512xf32, #tpu.memory_space<vmem>>, vector<1x256x512xf32>
    %swap3A_39 = vector.shape_cast %swap3A_38 : vector<1x256x512xf32> to vector<256x512xf32>
    %swap3A_40 = vector.shape_cast %mul3A_29 : vector<256x512xf32> to vector<1x256x512xf32>
    tpu.vector_store %arg6[%swap3A_35, %swap3A_36, %swap3A_37], %swap3A_40 {strides = array<i32>} : memref<1x256x512xf32, #tpu.memory_space<vmem>>, vector<1x256x512xf32>,
    %sub3A = arith.subf %mul3A_28, %mul3A_29 : vector<256x512xf32>
    %abs3A = math.absf %sub3A : vector<256x512xf32>
    %reduce_sum3A = vector.shape_cast %abs3A : vector<256x512xf32> to vector<1x256x512xf32>
    %reduce_sum3A_41 = arith.constant dense<0.000000e+00> : vector<1xf32>
    %reduce_sum3A_42 = vector.multi_reduction <add>, %reduce_sum3A, %reduce_sum3A_41 [1, 2] : vector<1x256x512xf32> to vector<1xf32>
    %reduce_sum3A_43 = vector.shape_cast %reduce_sum3A_42 : vector<1xf32> to vector<1x1x1xf32>
    %reduce_sum3A_44 = vector.extract %reduce_sum3A_43[0, 0, 0] : f32 from vector<1x1x1xf32>
    %eq3A = arith.constant 0 : i32
    %eq3A_45 = arith.cmpi eq, %arg0, %eq3A : i32
    %eq3A_46 = arith.constant 0 : i32
    %eq3A_47 = arith.cmpi eq, %arg1, %eq3A_46 : i32
    %and3A = arith.andi %eq3A_45, %eq3A_47 : i1
    %convert_element_type3A = arith.extui %and3A : i1 to i32
    %cond3A = arith.constant 0 : i32
    %cond3A_48 = arith.cmpi ne, %convert_element_type3A, %cond3A : i32
    scf.if %cond3A_48 {
      %swap3A_54 = arith.constant 0.000000e+00 : f32
      %swap3A_55 = arith.constant 0 : index
      %swap3A_56 = memref.load %arg7[%swap3A_55] : memref<1xf32, #tpu.memory_space<smem>>
      memref.store %swap3A_54, %arg7[%swap3A_55] : memref<1xf32, #tpu.memory_space<smem>>
    } else {
    }
    %get3A_49 = arith.constant 0 : index
    %get3A_50 = memref.load %arg7[%get3A_49] : memref<1xf32, #tpu.memory_space<smem>>
    %add3A_51 = arith.addf %get3A_50, %reduce_sum3A_44 : f32
    %swap3A_52 = arith.constant 0 : index
    %swap3A_53 = memref.load %arg7[%swap3A_52] : memref<1xf32, #tpu.memory_space<smem>>
    memref.store %add3A_51, %arg7[%swap3A_52] : memref<1xf32, #tpu.memory_space<smem>>
    return
  }
  func.func @transform_0(%arg0: i32, %arg1: i32) -> (i32, i32, i32) {
    %c0_i32 = arith.constant 0 : i32
    %c0_i32_0 = arith.constant 0 : i32
    return %arg1, %arg0, %c0_i32 : i32, i32, i32
  }
  func.func @transform_1(%arg0: i32, %arg1: i32) -> (i32, i32, i32) {
    %c0_i32 = arith.constant 0 : i32
    %c0_i32_0 = arith.constant 0 : i32
    return %arg1, %arg0, %c0_i32 : i32, i32, i32
  }
  func.func @transform_2(%arg0: i32, %arg1: i32) -> (i32, i32) {
    %c0_i32 = arith.constant 0 : i32
    %c0_i32_0 = arith.constant 0 : i32
    return %arg0, %c0_i32 : i32, i32
  }
  func.func @transform_3(%arg0: i32, %arg1: i32) -> (i32, i32, i32) {
    %c0_i32 = arith.constant 0 : i32
    %c0_i32_0 = arith.constant 0 : i32
    return %arg1, %arg0, %c0_i32 : i32, i32, i32
  }
  func.func @transform_4(%arg0: i32, %arg1: i32) -> (i32, i32, i32) {
    %c0_i32 = arith.constant 0 : i32
    %c0_i32_0 = arith.constant 0 : i32
    return %arg1, %arg0, %c0_i32 : i32, i32, i32
  }
  func.func @transform_5(%arg0: i32, %arg1: i32) -> i32 {
    %c0_i32 = arith.constant 0 : i32
    %c0_i32_0 = arith.constant 0 : i32
    return %c0_i32 : i32
  }
}

</mosaic_0001>

<sc_bundles>
// kernel: kernel.4.cloned.1.call-start
scs
__scs_entry_jumppad:
0x0: {  	(pc) =	sbr.rel $0x88, $3  }
0x1: {  	(tag) =	ssettag $0x0;
	lr =	simm.s32 $0x1  }
0x2: {  	[smem:$0x3F9C] =	sst lr;
	_ =	strace $0xD0000000  }
0x3: {  	_ = 	snop  }
0x4: {  	_ = 	snop  }
0x5: {  	_ = 	snop  }
0x6: {  	_ = 	snop  }
0x7: {  	_ = 	snop  }
__scs_overlays_trampoline_lowered:
0x8: {  	[smem:$0x3FAB] =	sst s0  }
0x9: {  	[smem:$0x3FAC] =	sst s1  }
0xa: {  	[smem:$0x3FAD] =	sst s2  }
0xb: {  	[smem:$0x3FAE] =	sst s3  }
0xc: {  	[smem:$0x3FAF] =	sst s4  }
0xd: {  	[smem:$0x3FB0] =	sst s5  }
0xe: {  	[smem:$0x3FB1] =	sst s6  }
0xf: {  	[smem:$0x3FB2] =	sst s7  }
0x10: {  	[smem:$0x3FB3] =	sst s8  }
0x11: {  	[smem:$0x3FB4] =	sst s9;
	s0 =	simm.s32 @!p0 $0x0  }
0x12: {  	s1 =	sld [smem:$0x3F9A];
	s0 =	simm.s32 @p0 $0x1  }
0x13: {  	[smem:$0x3FB5] =	sst s0;
	s0 =	simm.s32 @!p1 $0x0  }
0x14: {  	s2 =	sld [smem:$0x3F99];
	s0 =	simm.s32 @p1 $0x1  }
0x15: {  	[smem:$0x3FB6] =	sst s0;
	s0 =	simm.s32 @!p2 $0x0  }
0x16: {  	s3 =	sld [smem:$0x3FDB];
	s0 =	simm.s32 @p2 $0x1  }
0x17: {  	s4 =	simm.s32 $0x1BF5;
	[smem:$0x3FB8] =	sst s0  }
0x18: {  	s0 =	sld [smem:$0x3F9B];
	_ =	swait.ge [sflag:s4], $0x0  }
0x19: {  	s7 =	sld [smem:$0x3F9C]  }
0x1a: {  	s8 =	sadd.s32 $0xFFFFE003, lr  }
0x1b: {  	s9 =	sadd.s32 $0xFFFFFEF7, lr;
	s5 =	simm.s32 $0xFFFFFFFF;
	p2 =	slt.u32 s8, $0xFFFFF086  }
0x1c: {  	p1 =	slt.u32 s9, $0xF7A;
	s5 =	simm.s32 @!p2 $0x0  }
0x1d: {  	s5 =	simm.s32 @p1 $0x1;
	p0 =	seq.s32 s7, s2  }
0x1e: {  	s7 =	smul.u32 @!p0 $0xF7A, s2;
	p2 =	seq.s32 @!p0 s5, $0x0  }
0x1f: {  	s9 =	smul.u32 $0xF7A, s1;
	s8 =	simm.s32 @!p0 $0x1BF5;
	p2 =	por !p2, p0  }
0x20: {  	[sflag:s8] =	ssyncset.s32 @!p0 $0xFFFFF086;
	s6 =	sadd.s32 @!p0 s3, s7;
	s7 =	simm.s32 @!p0 $0x108  }
0x21: {  	s3 =	sadd.s32 s3, s9;
	s6 =	sadd.s32 @!p0 $0x88, s6;
	s7 =	simm.s32 @p2 $0x1082  }
0x22: {  	[simem:s7], [sflag:s8] =	dma.local @!p0 [hbm:s6], $0xF7A  }
0x23: {  	s9 =	sor.u32 $0xD0000000, s2;
	s6 =	simm.s32 $0x108;
	_ =	swait.ge @!p0 [sflag:s8], $0x0  }
0x24: {  	s3 =	sadd.s32 $0x88, s3;
	s6 =	simm.s32 @!p1 $0x1082;
	[sflag:s4] =	ssyncset.s32 $0xFFFFF086  }
0x25: {  	[simem:s6], [sflag:s4] =	dma.local [hbm:s3], $0xF7A  }
0x26: {  	[smem:$0x3F9C] =	sst s1;
	(tag) =	ssettag s2;
	_ =	strace s9  }
0x27: {  	s1 =	sld [smem:$0x3FAC]  }
0x28: {  	s2 =	sld [smem:$0x3FAD]  }
0x29: {  	s4 =	sld [smem:$0x3FAF]  }
0x2a: {  	p0 =	seq.s32 s5, $0x0;
	s5 =	sld [smem:$0x3FB0]  }
0x2b: {  	s6 =	sld [smem:$0x3FB1]  }
0x2c: {  	s7 =	sld [smem:$0x3FB2]  }
0x2d: {  	s3 =	simm.s32 $0x108;
	s8 =	sld [smem:$0x3FB3]  }
0x2e: {  	s3 =	simm.s32 @!p0 $0x1082;
	s9 =	sld [smem:$0x3FB4]  }
0x2f: {  	lr =	sadd.s32 s0, s3;
	s0 =	sld [smem:$0x3FAB]  }
0x30: {  	s3 =	sld [smem:$0x3FAE]  }
0x31: {  	[smem:$0x3FB7] =	sst s10  }
0x32: {  	s10 =	sld [smem:$0x3FB5];
	_ =	sdelay $0x3  }
0x33: {  	p0 =	seq.s32 s10, $0x1;
	s10 =	sld [smem:$0x3FB7];
	_ =	sdelay $0x3  }
0x34: {  	[smem:$0x3FB7] =	sst s10  }
0x35: {  	s10 =	sld [smem:$0x3FB6];
	_ =	sdelay $0x3  }
0x36: {  	p1 =	seq.s32 s10, $0x1;
	s10 =	sld [smem:$0x3FB7];
	_ =	sdelay $0x3  }
0x37: {  	[smem:$0x3FB7] =	sst s10  }
0x38: {  	s10 =	sld [smem:$0x3FB8]  }
0x39: {  	_ = 	snop;
	(pc) =	sbr.ind lr, $3  }
0x3a: {  	_ = 	snop  }
0x3b: {  	_ = 	snop  }
0x3c: {  	p2 =	seq.s32 s10, $0x1;
	s10 =	sld [smem:$0x3FB7]  }
0x3d: {  	_ =	shalt  }
0x3e: {  	_ =	shalt  }
0x3f: {  	_ =	shalt  }
0x40: {  	_ =	shalt  }
0x41: {  	_ =	shalt  }
0x42: {  	_ =	shalt  }
0x43: {  	_ =	shalt  }
0x44: {  	_ =	shalt  }
0x45: {  	_ =	shalt  }
0x46: {  	_ =	shalt  }
0x47: {  	_ =	shalt  }
0x48: {  	_ =	shalt  }
0x49: {  	_ =	shalt  }
0x4a: {  	_ =	shalt  }
0x4b: {  	_ =	shalt  }
0x4c: {  	_ =	shalt  }
0x4d: {  	_ =	shalt  }
0x4e: {  	_ =	shalt  }
0x4f: {  	_ =	shalt  }
0x50: {  	_ =	shalt  }
0x51: {  	_ =	shalt  }
0x52: {  	_ =	shalt  }
0x53: {  	_ =	shalt  }
0x54: {  	_ =	shalt  }
0x55: {  	_ =	shalt  }
0x56: {  	_ =	shalt  }
0x57: {  	_ =	shalt  }
0x58: {  	_ =	shalt  }
0x59: {  	_ =	shalt  }
0x5a: {  	_ =	shalt  }
0x5b: {  	_ =	shalt  }
0x5c: {  	_ =	shalt  }
0x5d: {  	_ =	shalt  }
0x5e: {  	_ =	shalt  }
0x5f: {  	_ =	shalt  }
0x60: {  	_ =	shalt  }
0x61: {  	_ =	shalt  }
0x62: {  	_ =	shalt  }
0x63: {  	_ =	shalt  }
0x64: {  	_ =	shalt  }
0x65: {  	_ =	shalt  }
0x66: {  	_ =	shalt  }
0x67: {  	_ =	shalt  }
0x68: {  	_ =	shalt  }
0x69: {  	_ =	shalt  }
0x6a: {  	_ =	shalt  }
0x6b: {  	_ =	shalt  }
0x6c: {  	_ =	shalt  }
0x6d: {  	_ =	shalt  }
0x6e: {  	_ =	shalt  }
0x6f: {  	_ =	shalt  }
0x70: {  	_ =	shalt  }
0x71: {  	_ =	shalt  }
0x72: {  	_ =	shalt  }
0x73: {  	_ =	shalt  }
0x74: {  	_ =	shalt  }
0x75: {  	_ =	shalt  }
0x76: {  	_ =	shalt  }
0x77: {  	_ =	shalt  }
0x78: {  	_ =	shalt  }
0x79: {  	_ =	shalt  }
0x7a: {  	_ =	shalt  }
0x7b: {  	_ =	shalt  }
0x7c: {  	_ =	shalt  }
0x7d: {  	_ =	shalt  }
0x7e: {  	_ =	shalt  }
0x7f: {  	_ =	shalt  }
0x80: {  	_ =	shalt  }
0x81: {  	_ =	shalt  }
0x82: {  	_ =	shalt  }
0x83: {  	_ =	shalt  }
0x84: {  	_ =	shalt  }
0x85: {  	_ =	shalt  }
0x86: {  	_ =	shalt  }
0x87: {  	_ =	shalt  }
.Lfunc_end0:
.L_simem_size_0:
called_computation_lowered:
.L_overlay_start_0:
0x88: {  	s2 =	sld [smem:$0x3FD9]  }
0x89: {  	s3 =	sld [smem:$0x3FFE];
	_ =	sdelay $0x1  }
0x8a: {  	s1 =	srdreg.scid  }
0x8b: {  	s0 =	sand.u32 $0x1, s1  }
0x8c: {  	s14 =	sshll.u32 s0, $0xA;
	s2 =	sadd.s32 s3, s2  }
0x8d: {  	s2 =	sadd.s32 s2, s14  }
0x8e: {  	[smem:$0x3FC3] =	sst s2  }
0x8f: {  	_ = 	snop  }
0x90: {  	s2 =	sld [smem:$0x3FD0];
	_ =	sdelay $0x2  }
0x91: {  	s15 =	simm.s32 $0xA;
	s4 =	simm.s32 $0x10  }
0x92: {  	[smem:s4], [sflag:s15] =	dma.local [hbm:s2], $0x1  }
0x93: {  	_ =	swait.eq [sflag:s15], $0x1  }
0x94: {  	[sflag:s15] =	ssyncset.done $0x0  }
0x95: {  	s16 =	sld [smem:$0x10];
	[sflag:s15] =	ssyncadd.s32 $0xFFFFFFFF  }
0x96: {  	s17 =	sld [smem:$0x11];
	(tm) =	ssettm $0x1  }
0x97: {  	s18 =	sld [smem:$0x3FFB];
	_ =	sdelay $0x3  }
0x98: {  	_ =	strace s18  }
0x99: {  	s4 =	sld [smem:$0x3FFC];
	_ =	sdelay $0x3  }
0x9a: {  	_ =	strace s4  }
0x9b: {  	s4 =	sld [smem:$0x3FFD];
	_ =	sdelay $0x3  }
0x9c: {  	_ =	strace s4  }
0x9d: {  	_ =	strace $0x8FFFFFFF  }
0x9e: {  	s19 =	sld [smem:$0x3FDB];
	_ =	sdelay $0x1  }
0x9f: {  	s5 =	simm.s32 $_scs_section_size  }
0xa0: {  	s6 =	simm.s32 $_size__tile_overlayer_lowered;
	s7 =	simm.s32 $_tile_overlayer_lowered  }
0xa1: {  	s22 =	simm.s32 $0x1BFF;
	s21 =	sshll.u32 s7, $0x1;
	s4 =	sadd.s32 s5, s19  }
0xa2: {  	s8 =	simm.s32 $0x0;
	s20 =	sshll.u32 s6, $0x1;
	s6 =	sadd.s32 s21, s4  }
0xa3: {  	[timem:s8], [sflag:s22] =	dma.local [hbm:s6], s20  }
0xa4: {  	_ =	swait.ge [sflag:s22], s20  }
0xa5: {  	s5 =	ssub.s32 $0x0, s20;
	[sflag:s22] =	ssyncset.done $0x0  }
0xa6: {  	[sflag:s22] =	ssyncadd.s32 s5;
	_ =	sdelay $0x1  }
0xa7: {  	s23 =	simm.s32 $0x1B8B  }
0xa8: {  	_ =	swait.ge [sflag:s23], $0x1  }
0xa9: {  	[sflag:s23] =	ssyncset.done $0x0  }
0xaa: {  	s25 =	simm.s32 $0x1B8E;
	s24 =	sld [smem:$0x3FFE];
	[sflag:s23] =	ssyncadd.s32 $0xFFFFFFFF  }
0xab: {  	s26 =	simm.s32 $execute0_lowered;
	[smem:$0x3FD2] =	sst s25  }
0xac: {  	s6 =	sshll.u32 s26, $0x1;
	_ =	strace $0x80000046;
	[dreg:$0x1] =	wrdreg $0xFFFFFFFF  }
0xad: {  	s28 =	simm.s32 $_size_execute0_lowered;
	s4 =	sadd.s32 s4, s6;
	[dreg:$0x0] =	wrdreg $0x0  }
0xae: {  	s6 =	sshll.u32 s28, $0x1;
	[dreg:$0x2] =	wrdreg s4  }
0xaf: {  	[dreg:$0x3] =	wrdreg s6  }
0xb0: {  	[dreg:$0x4] =	wrdreg $0xC0  }
0xb1: {  	_ =	task [dreg:s8], $0x5FFFF  }
0xb2: {  	[dreg:$0x1] =	wrdreg $0xFFFFFFFF  }
0xb3: {  	[dreg:$0x0] =	wrdreg $0x60  }
0xb4: {  	[dreg:$0x2] =	wrdreg s17  }
0xb5: {  	[dreg:$0x3] =	wrdreg s16  }
0xb6: {  	[dreg:$0x4] =	wrdreg s24  }
0xb7: {  	[dreg:$0x5] =	wrdreg $0x9  }
0xb8: {  	_ =	task.clear_ibuf [dreg:s8], $0x6FFFF;
	_ =	strace $0x90000046  }
0xb9: {  	s29 =	simm.s32 $0x9;
	_ =	strace $0x80000048  }
0xba: {  	_ =	swait.ge [sflag:s29], $0x1  }
0xbb: {  	[sflag:s29] =	ssyncadd.s32 $0xFFFFFFFF  }
0xbc: {  	_ =	strace $0x90000048  }
0xbd: {  	_ =	sfence  }
0xbe: {  	s30 =	sld [smem:$0x0];
	_ =	sdelay $0x2  }
0xbf: {  	s31 =	sshll.u32 s1, $0xD;
	s1 =	sshrl.u32 s1, $0x2  }
0xc0: {  	s3 =	sand.u32 $0x4000, s31;
	s1 =	sadd.s32 s1, s30  }
0xc1: {  	s0 =	sor.u32 s3, s0;
	s1 =	sshll.u32 s1, $0x11  }
0xc2: {  	s0 =	sor.u32 s1, s0  }
0xc3: {  	s0 =	sadd.s32 $0x8F2B, s0  }
0xc4: {  	[sflag:s0] =	ssyncadd.remote.s32 $0x1  }
0xc5: {  	_ =	sfence.sel $0xFFFF  }
0xc6: {  	[dreg:$0x0] =	wrdreg $0xFFFFFFFF;
	(pc) =	sbr.abs _section_cstart, $3  }
0xc7: {  	[dreg:$0x1] =	wrdreg $0xFFFFFFFF  }
0xc8: {  	_ =	task.clear_ibuf [dreg:s8], $0x2FFFF;
	_ =	strace $0x9FFFFFFF  }
0xc9: {  	(tm) =	ssettm $0x7FFFFFFF  }
tec
execute0_lowered:
.L_overlay_start_1:
0x0: {  	(tag) =	ssettag $0x1  }
0x1: {  	s0 =	rddreg [dreg:$0x0]  }
0x2: {  	s1 =	rddreg [dreg:$0x1]  }
0x3: {  	s3 =	rddreg [dreg:$0x2]  }
0x4: {  	s2 =	srdreg.scid;
	s5 =	stileid.u32  }
0x5: {  	s18 =	simm.s32 $0x2000;
	s19 =	simm.s32 $0x8000;
	s28 =	simm.s32 $0x3  }
0x6: {  	s29 =	simm.s32 $0x4;
	s30 =	simm.s32 $0x5;
	s31 =	simm.s32 $0x0  }
0x7: {  	s4 =	sand.u32 $0x1, s2;
	s2 =	simm.s32 $0x0;
	s5 =	sshll.u32 s5, $0xB  }
0x8: {  	s15 =	sadd.s32 $0x11600, s3;
	s6 =	sshll.u32 s4, $0xA;
	[smem:$0x7FF] =	sst s2  }
0x9: {  	s4 =	ssub.s32 $0x2, s4;
	s12 =	sor.u32 s6, s5;
	_ =	strace $0x80000047  }
0xa: {  	s25 =	sshrl.u32 s4, $0x1;
	s5 =	sadd.s32 s12, s3;
	s3 =	sadd.s32 $0x29600, s3  }
0xb: {  	s4 =	ssub.s32 s4, s25;
	s6 =	sadd.s32 s1, s12;
	s14 =	sor.u32 $0x8000, s12  }
0xc: {  	s16 =	sor.u32 $0x10000, s12;
	s11 =	sadd.s32 s15, s12;
	s25 =	simm.s32 $0x1  }
0xd: {  	s26 =	sadd.s32 $0x1600, s5;
	s5 =	sadd.s32 $0x9600, s5;
	s7 =	sadd.s32 s0, s14  }
0xe: {  	s8 =	sadd.s32 s1, s14;
	s9 =	sadd.s32 s0, s16;
	s10 =	sadd.s32 s1, s16  }
0xf: {  	s13 =	sadd.s32 s15, s14;
	s14 =	sadd.s32 s3, s14;
	s15 =	sadd.s32 s15, s16  }
0x10: {  	s16 =	sadd.s32 s3, s16;
	s17 =	smax.u32 s4, $0x1;
	[dreg:$0x4] =	wrdreg s26  }
0x11: {  	s4 =	simm.s32 $0xA000;
	[dreg:$0x5] =	wrdreg s5;
	s5 =	sadd.s32 s0, s12  }
0x12: {  	s12 =	sadd.s32 s3, s12;
	s3 =	simm.s32 $0x4000;
	s26 =	simm.s32 $0x2  }
.LBB2_1:
0x13: {  	s0 =	rddreg [dreg:$0x4];
	s1 =	simm.s32 $0xC000  }
0x14: {  	[tilespmem:s1], [sflag:$0x1] =	stream.linear.gather [hbm4b:s0+s2], $0x2000, $0x38;
	[tilespmem:$0x10000] =	vst v63  }
0x15: {  	s20 =	rddreg [dreg:$0x5];
	s21 =	simm.s32 $0xE000  }
0x16: {  	[tilespmem:s21], [sflag:$0x1] =	stream.linear.gather [hbm4b:s20+s2], $0x2000, $0x38;
	[tilespmem:$0x10000] =	vst v63  }
0x17: {  	_ = 	snop  }
0x18: {  	[tilespmem:s2], [sflag:$0x2] =	stream.linear.gather [hbm4b:s5+s2], $0x2000, $0x38;
	[tilespmem:$0x10000] =	vst v63  }
0x19: {  	s22 =	simm.s32 $0x6000  }
0x1a: {  	[tilespmem:s22], [sflag:$0x2] =	stream.linear.gather [hbm4b:s6+s2], $0x2000, $0x38;
	[tilespmem:$0x10000] =	vst v63  }
0x1b: {  	_ = 	snop  }
0x1c: {  	[tilespmem:s18], [sflag:$0x3] =	stream.linear.gather [hbm4b:s7+s2], $0x2000, $0x38;
	[tilespmem:$0x10000] =	vst v63  }
0x1d: {  	_ = 	snop  }
0x1e: {  	[tilespmem:s19], [sflag:$0x3] =	stream.linear.gather [hbm4b:s8+s2], $0x2000, $0x38;
	[tilespmem:$0x10000] =	vst v63  }
0x1f: {  	_ = 	snop  }
0x20: {  	[tilespmem:s3], [sflag:$0x4] =	stream.linear.gather [hbm4b:s9+s2], $0x2000, $0x38;
	[tilespmem:$0x10000] =	vst v63  }
0x21: {  	_ = 	snop  }
0x22: {  	[tilespmem:s4], [sflag:$0x4] =	stream.linear.gather [hbm4b:s10+s2], $0x2000, $0x38;
	[tilespmem:$0x10000] =	vst v63  }
0x23: {  	_ =	swait.ge [sflag:s25], $0x2000  }
0x24: {  	[sflag:s25] =	ssyncset.done $0x0  }
0x25: {  	[sflag:s25] =	ssyncadd.s32 $0xFFFFE000  }
0x26: {  	_ =	swait.ge [sflag:s25], $0x2000  }
0x27: {  	[sflag:s25] =	ssyncset.done $0x0  }
0x28: {  	[sflag:s25] =	ssyncadd.s32 $0xFFFFE000  }
0x29: {  	_ =	swait.ge [sflag:s26], $0x2000  }
0x2a: {  	[sflag:s26] =	ssyncset.done $0x0  }
0x2b: {  	[sflag:s26] =	ssyncadd.s32 $0xFFFFE000  }
0x2c: {  	_ =	swait.ge [sflag:s26], $0x2000  }
0x2d: {  	[sflag:s26] =	ssyncset.done $0x0  }
0x2e: {  	s23 =	simm.s32 $0xE040;
	[sflag:s26] =	ssyncadd.s32 $0xFFFFE000  }
0x2f: {  	v1 =	vld [tilespmem:s23+$0x10]  }
0x30: {  	s18 =	simm.s32 $0x40;
	v0 =	vld [tilespmem:s23+$0xFFFFFFD0]  }
0x31: {  	v2 =	vld [tilespmem:s18+$0xFFFFFFD0]  }
0x32: {  	v3 =	vld [tilespmem:s23+$0x30]  }
0x33: {  	v4 =	vld [tilespmem:s23+$0xFFFFFFF0]  }
0x34: {  	v5 =	vld [tilespmem:s23+$0x0]  }
0x35: {  	v6 =	vld [tilespmem:s18+$0xFFFFFFE0]  }
0x36: {  	v7 =	vld [tilespmem:s18+$0x10]  }
0x37: {  	v8 =	vld [tilespmem:s23+$0xFFFFFFE0]  }
0x38: {  	v9 =	vld [tilespmem:s18+$0xFFFFFFF0]  }
0x39: {  	v10 =	vld [tilespmem:s18+$0x30]  }
0x3a: {  	v11 =	vld [tilespmem:s18+$0x0]  }
0x3b: {  	v12 =	vld [tilespmem:s18+$0xFFFFFFC0]  }
0x3c: {  	v13 =	vld [tilespmem:s23+$0xFFFFFFC0]  }
0x3d: {  	s24 =	simm.s32 $0xE0C0;
	v14 =	vld [tilespmem:s18+$0x20]  }
0x3e: {  	v16 =	vld [tilespmem:s24+$0x10];
	v2 =	vmul.f32 $5.000000000e-01, v2  }
0x3f: {  	v17 =	vld [tilespmem:s24+$0x30];
	v6 =	vmul.f32 $5.000000000e-01, v6  }
0x40: {  	s1 =	simm.s32 $0xC0;
	v20 =	vld [tilespmem:s24+$0x0];
	v0 =	vmul.f32 $3.921568860e-03, v0;
	v8 =	vmul.f32 $3.921568860e-03, v8;
	v2 =	vadd.f32 $5.000000000e-01, v2  }
0x41: {  	v21 =	vld [tilespmem:s1+$0xFFFFFFE0];
	v5 =	vmul.f32 $3.921568860e-03, v5;
	v12 =	vmul.f32 $5.000000000e-01, v12;
	v6 =	vadd.f32 $5.000000000e-01, v6  }
0x42: {  	v22 =	vld [tilespmem:s1+$0xFFFFFFD0];
	v10 =	vmul.f32 $5.000000000e-01, v10;
	v11 =	vmul.f32 $5.000000000e-01, v11;
	v2 =	vmax.f32 v2, $0.0e+00  }
0x43: {  	v24 =	vld [tilespmem:s1+$0x10];
	v1 =	vmul.f32 $3.921568860e-03, v1;
	v6 =	vmax.f32 v6, $0.0e+00;
	v2 =	vmin.f32 v2, $1.000000000e+00  }
0x44: {  	v28 =	vld [tilespmem:s24+$0xFFFFFFC0];
	v4 =	vmul.f32 $3.921568860e-03, v4;
	v6 =	vmin.f32 v6, $1.000000000e+00;
	v0 =	vmul.f32 v2, v0  }
0x45: {  	v3 =	vmul.f32 $3.921568860e-03, v3;
	v11 =	vadd.f32 $5.000000000e-01, v11;
	v2 =	vld [tilespmem:s23+$0x20];
	v6 =	vmul.f32 v6, v8  }
0x46: {  	v9 =	vmul.f32 $5.000000000e-01, v9;
	v7 =	vmul.f32 $5.000000000e-01, v7;
	v8 =	vld [tilespmem:s24+$0xFFFFFFD0];
	[tilespmem:s18+$0xFFFFFFD0] =	vst v0  }
0x47: {  	s0 =	simm.s32 $0x6040;
	v12 =	vadd.f32 $5.000000000e-01, v12;
	v10 =	vadd.f32 $5.000000000e-01, v10;
	v11 =	vmax.f32 v11, $0.0e+00;
	[tilespmem:s18+$0xFFFFFFE0] =	vst v6;
	v6 =	vld [tilespmem:s24+$0xFFFFFFF0]  }
0x48: {  	s19 =	simm.s32 $0xC040;
	v13 =	vmul.f32 $3.921568860e-03, v13;
	v7 =	vadd.f32 $5.000000000e-01, v7;
	v11 =	vmin.f32 v11, $1.000000000e+00;
	v15 =	vld [tilespmem:s0+$0xFFFFFFD0]  }
0x49: {  	v12 =	vmax.f32 v12, $0.0e+00;
	v10 =	vmax.f32 v10, $0.0e+00;
	v5 =	vmul.f32 v11, v5;
	v19 =	vld [tilespmem:s19+$0xFFFFFFE0]  }
0x4a: {  	v7 =	vmax.f32 v7, $0.0e+00;
	v12 =	vmin.f32 v12, $1.000000000e+00;
	v18 =	vld [tilespmem:s0+$0xFFFFFFE0];
	v23 =	vmul.f32 $3.921568860e-03, v2  }
0x4b: {  	[tilespmem:s18+$0x0] =	vst v5;
	v0 =	vld [tilespmem:s19+$0xFFFFFFD0];
	v2 =	vadd.f32 $5.000000000e-01, v9;
	v9 =	vmin.f32 v10, $1.000000000e+00;
	v10 =	vmul.f32 v12, v13  }
0x4c: {  	v7 =	vmin.f32 v7, $1.000000000e+00;
	v26 =	vld [tilespmem:s0+$0x0];
	v8 =	vmul.f32 $3.921568860e-03, v8;
	v3 =	vmul.f32 v9, v3  }
0x4d: {  	v12 =	vld [tilespmem:s24+$0xFFFFFFE0];
	v2 =	vmax.f32 v2, $0.0e+00;
	v5 =	vmul.f32 $3.921568860e-03, v6;
	v11 =	vmul.f32 $5.000000000e-01, v15  }
0x4e: {  	v13 =	vld [tilespmem:s1+$0xFFFFFFF0];
	[tilespmem:s18+$0xFFFFFFC0] =	vst v10;
	v2 =	vmin.f32 v2, $1.000000000e+00;
	v15 =	vmul.f32 v7, v1;
	v29 =	vmul.f32 $3.921568860e-03, v19  }
0x4f: {  	v10 =	vld [tilespmem:s1+$0x30];
	v7 =	vmul.f32 $5.000000000e-01, v14;
	[tilespmem:s18+$0x30] =	vst v3;
	v3 =	vmul.f32 $5.000000000e-01, v18;
	v9 =	vadd.f32 $5.000000000e-01, v11  }
0x50: {  	v25 =	vld [tilespmem:s0+$0xFFFFFFC0];
	v18 =	vmul.f32 $5.000000000e-01, v24;
	v11 =	vmul.f32 v2, v4  }
0x51: {  	v14 =	vld [tilespmem:s1+$0x0];
	v4 =	vmul.f32 $3.921568860e-03, v20;
	v1 =	vmax.f32 v9, $0.0e+00;
	v9 =	vmul.f32 $5.000000000e-01, v22  }
0x52: {  	v19 =	vld [tilespmem:s1+$0xFFFFFFC0];
	v2 =	vmul.f32 $3.921568860e-03, v16;
	v7 =	vadd.f32 $5.000000000e-01, v7;
	v3 =	vadd.f32 $5.000000000e-01, v3  }
0x53: {  	v20 =	vld [tilespmem:s0+$0x30];
	v16 =	vmul.f32 $5.000000000e-01, v21;
	[tilespmem:s18+$0x10] =	vst v15;
	v22 =	vmul.f32 $3.921568860e-03, v12;
	v9 =	vadd.f32 $5.000000000e-01, v9  }
0x54: {  	v21 =	vld [tilespmem:s19+$0x10];
	v12 =	vmax.f32 v7, $0.0e+00;
	v3 =	vmax.f32 v3, $0.0e+00;
	v27 =	vmul.f32 $5.000000000e-01, v10  }
0x55: {  	v7 =	vld [tilespmem:s19+$0x30];
	v10 =	vmul.f32 $5.000000000e-01, v13;
	v1 =	vmin.f32 v1, $1.000000000e+00;
	v6 =	vmax.f32 v9, $0.0e+00  }
0x56: {  	[tilespmem:s18+$0xFFFFFFF0] =	vst v11;
	v11 =	vld [tilespmem:s19+$0xFFFFFFC0];
	v12 =	vmin.f32 v12, $1.000000000e+00;
	v14 =	vmul.f32 $5.000000000e-01, v14;
	v6 =	vmin.f32 v6, $1.000000000e+00  }
0x57: {  	v13 =	vld [tilespmem:s0+$0xFFFFFFF0];
	v30 =	vmin.f32 v3, $1.000000000e+00;
	v6 =	vmul.f32 v6, v8;
	v8 =	vadd.f32 $5.000000000e-01, v16  }
0x58: {  	v15 =	vmul.f32 v12, v23;
	v12 =	vmul.f32 $5.000000000e-01, v19;
	v19 =	vadd.f32 $5.000000000e-01, v27;
	v16 =	vld [tilespmem:s19+$0x0]  }
0x59: {  	v27 =	vmul.f32 $5.000000000e-01, v26;
	v26 =	vmul.f32 $3.921568860e-03, v28;
	v23 =	vmax.f32 v8, $0.0e+00;
	v8 =	vld [tilespmem:s24+$0x20]  }
0x5a: {  	s22 =	simm.s32 $0x60C0;
	v20 =	vmul.f32 $5.000000000e-01, v20;
	v14 =	vadd.f32 $5.000000000e-01, v14;
	v24 =	vadd.f32 $5.000000000e-01, v12;
	[tilespmem:s1+$0xFFFFFFD0] =	vst v6;
	v6 =	vld [tilespmem:s1+$0x20]  }
0x5b: {  	v9 =	vmul.f32 $3.921568860e-03, v17;
	v19 =	vmax.f32 v19, $0.0e+00;
	v12 =	vld [tilespmem:s22+$0xFFFFFFD0];
	v3 =	vmin.f32 v23, $1.000000000e+00  }
0x5c: {  	v23 =	vmax.f32 v24, $0.0e+00;
	v24 =	vmin.f32 v19, $1.000000000e+00;
	v19 =	vadd.f32 $5.000000000e-01, v20;
	v20 =	vld [tilespmem:s19+$0xFFFFFFF0]  }
0x5d: {  	s21 =	simm.s32 $0xC0C0;
	s20 =	simm.s32 $0x60C0;
	s3 =	simm.s32 $0xC0C0;
	v17 =	vmul.f32 $5.000000000e-01, v25;
	v28 =	vmax.f32 v14, $0.0e+00;
	v25 =	vmul.f32 v3, v22;
	v22 =	vld [tilespmem:s0+$0x10]  }
0x5e: {  	s4 =	simm.s32 $0x140;
	s23 =	simm.s32 $0x80;
	v14 =	vmul.f32 v30, v29;
	v13 =	vmul.f32 $5.000000000e-01, v13;
	s24 =	simm.s32 $0xE140;
	v23 =	vmin.f32 v23, $1.000000000e+00;
	v3 =	vld [tilespmem:s3+$0xFFFFFFD0]  }
.LBB2_2:
0x5f: {  	v29 =	vld [tilespmem:s24+$0x10];
	s23 =	sadd.s32 $0x80, s23;
	[tilespmem:s1+$0xFFFFFFE0] =	vst v25;
	v18 =	vadd.f32 $5.000000000e-01, v18;
	v8 =	vmul.f32 $3.921568860e-03, v8;
	s22 =	sadd.s32 $0x80, s22;
	s3 =	sadd.s32 $0x80, s3;
	v21 =	vmul.f32 $3.921568860e-03, v21  }
0x60: {  	v28 =	vmin.f32 v28, $1.000000000e+00;
	v11 =	vmul.f32 $3.921568860e-03, v11;
	v27 =	vadd.f32 $5.000000000e-01, v27;
	v25 =	vld [tilespmem:s24+$0xFFFFFFD0];
	p0 =	slt.u32 s23, $0x1F80;
	[tilespmem:s18+$0x20] =	vst v15;
	s18 =	smov.u32 s1;
	s1 =	smov.u32 s4  }
0x61: {  	v10 =	vadd.f32 $5.000000000e-01, v10;
	v28 =	vmul.f32 v28, v4;
	v4 =	vmul.f32 $3.921568860e-03, v16;
	v15 =	vld [tilespmem:s24+$0x30];
	[tilespmem:s0+$0xFFFFFFE0] =	vst v14  }
0x62: {  	v9 =	vmul.f32 v24, v9;
	v16 =	vadd.f32 $5.000000000e-01, v17;
	v14 =	vmul.f32 v23, v26;
	v17 =	vld [tilespmem:s19+$0x20];
	s19 =	smov.u32 s21;
	s21 =	smov.u32 s3  }
0x63: {  	v7 =	vmul.f32 $3.921568860e-03, v7;
	v10 =	vmax.f32 v10, $0.0e+00;
	v24 =	vmax.f32 v27, $0.0e+00;
	v23 =	vld [tilespmem:s24+$0xFFFFFFF0]  }
0x64: {  	v22 =	vmul.f32 $5.000000000e-01, v22;
	v10 =	vmin.f32 v10, $1.000000000e+00;
	[tilespmem:s18+$0x30] =	vst v9;
	v9 =	vmin.f32 v24, $1.000000000e+00;
	v24 =	vld [tilespmem:s0+$0x20]  }
0x65: {  	v5 =	vmul.f32 v10, v5;
	v10 =	vadd.f32 $5.000000000e-01, v13;
	v26 =	vld [tilespmem:s20+$0xFFFFFFE0];
	v4 =	vmul.f32 v9, v4  }
0x66: {  	v13 =	vmax.f32 v16, $0.0e+00;
	v16 =	vmax.f32 v19, $0.0e+00;
	v9 =	vmul.f32 $5.000000000e-01, v12;
	v12 =	vld [tilespmem:s19+$0xFFFFFFE0]  }
0x67: {  	v16 =	vmin.f32 v16, $1.000000000e+00;
	v10 =	vmax.f32 v10, $0.0e+00;
	v19 =	vld [tilespmem:s24+$0x0];
	[tilespmem:s18+$0xFFFFFFC0] =	vst v14;
	v14 =	vmul.f32 $3.921568860e-03, v20  }
0x68: {  	v18 =	vmax.f32 v18, $0.0e+00;
	v7 =	vmul.f32 v16, v7;
	v9 =	vadd.f32 $5.000000000e-01, v9;
	v20 =	vld [tilespmem:s4+$0xFFFFFFE0]  }
0x69: {  	v18 =	vmin.f32 v18, $1.000000000e+00;
	v22 =	vadd.f32 $5.000000000e-01, v22;
	v17 =	vmul.f32 $3.921568860e-03, v17;
	v16 =	vld [tilespmem:s4+$0xFFFFFFD0]  }
0x6a: {  	v18 =	vmul.f32 v18, v2;
	v2 =	vmin.f32 v10, $1.000000000e+00;
	v9 =	vmax.f32 v9, $0.0e+00;
	v27 =	vld [tilespmem:s4+$0x10];
	[tilespmem:s0+$0x0] =	vst v4  }
0x6b: {  	v4 =	vmax.f32 v22, $0.0e+00;
	v10 =	vld [tilespmem:s24+$0xFFFFFFE0];
	v30 =	vmul.f32 $3.921568860e-03, v12;
	v12 =	vmul.f32 $5.000000000e-01, v24;
	[tilespmem:s0+$0x30] =	vst v7  }
0x6c: {  	v6 =	vmul.f32 $5.000000000e-01, v6;
	v7 =	vmin.f32 v9, $1.000000000e+00;
	v9 =	vmul.f32 $5.000000000e-01, v26;
	v22 =	vld [tilespmem:s4+$0xFFFFFFF0]  }
0x6d: {  	v14 =	vmul.f32 v2, v14;
	v26 =	vmul.f32 $3.921568860e-03, v0;
	v2 =	vmin.f32 v4, $1.000000000e+00;
	v0 =	vmovc v3;
	v24 =	vld [tilespmem:s4+$0x30]  }
0x6e: {  	v4 =	vmul.f32 $3.921568860e-03, v19;
	v19 =	vmul.f32 v2, v21;
	v12 =	vadd.f32 $5.000000000e-01, v12;
	v3 =	vld [tilespmem:s20+$0xFFFFFFC0]  }
0x6f: {  	v6 =	vadd.f32 $5.000000000e-01, v6;
	v2 =	vmul.f32 $3.921568860e-03, v29;
	v21 =	vmul.f32 v1, v26;
	v1 =	vmovc v7;
	v31 =	vld [tilespmem:s4+$0x0];
	[tilespmem:s0+$0xFFFFFFF0] =	vst v14  }
0x70: {  	v9 =	vadd.f32 $5.000000000e-01, v9;
	v7 =	vmul.f32 $5.000000000e-01, v16;
	v12 =	vmax.f32 v12, $0.0e+00;
	v14 =	vld [tilespmem:s4+$0xFFFFFFC0];
	[tilespmem:s0+$0x10] =	vst v19  }
0x71: {  	v6 =	vmax.f32 v6, $0.0e+00;
	v19 =	vmul.f32 $3.921568860e-03, v10;
	v10 =	vmin.f32 v12, $1.000000000e+00;
	[tilespmem:s18+$0x0] =	vst v28;
	v26 =	vld [tilespmem:s20+$0x30]  }
0x72: {  	v13 =	vmin.f32 v13, $1.000000000e+00;
	v16 =	vmul.f32 $3.921568860e-03, v25;
	v12 =	vadd.f32 $5.000000000e-01, v7;
	[tilespmem:s18+$0xFFFFFFF0] =	vst v5;
	v28 =	vld [tilespmem:s20+$0x0]  }
0x73: {  	v13 =	vmul.f32 v13, v11;
	v5 =	vmul.f32 $3.921568860e-03, v23;
	v23 =	vmax.f32 v9, $0.0e+00;
	v7 =	vld [tilespmem:s19+$0x30];
	[tilespmem:s0+$0xFFFFFFD0] =	vst v21  }
0x74: {  	v17 =	vmul.f32 v10, v17;
	v9 =	vmax.f32 v12, $0.0e+00;
	v12 =	vmul.f32 $5.000000000e-01, v20;
	v29 =	vld [tilespmem:s24+$0xFFFFFFC0];
	[tilespmem:s18+$0x10] =	vst v18  }
0x75: {  	v24 =	vmul.f32 $5.000000000e-01, v24;
	v20 =	vmin.f32 v9, $1.000000000e+00;
	v9 =	vmul.f32 $3.921568860e-03, v15;
	v11 =	vld [tilespmem:s19+$0xFFFFFFC0];
	[tilespmem:s0+$0xFFFFFFC0] =	vst v13  }
0x76: {  	v6 =	vmin.f32 v6, $1.000000000e+00;
	v10 =	vmul.f32 $5.000000000e-01, v22;
	v18 =	vmul.f32 $5.000000000e-01, v27;
	v13 =	vld [tilespmem:s20+$0xFFFFFFF0];
	[tilespmem:s0+$0x20] =	vst v17;
	s0 =	smov.u32 s20;
	s20 =	smov.u32 s22  }
0x77: {  	v15 =	vmul.f32 v6, v8;
	v12 =	vadd.f32 $5.000000000e-01, v12;
	v17 =	vmul.f32 v20, v16;
	v21 =	vld [tilespmem:s19+$0x10]  }
0x78: {  	v6 =	vmul.f32 $5.000000000e-01, v14;
	v14 =	vmul.f32 $5.000000000e-01, v31;
	v20 =	vadd.f32 $5.000000000e-01, v24;
	v16 =	vld [tilespmem:s19+$0x0]  }
0x79: {  	v22 =	vmax.f32 v12, $0.0e+00;
	v26 =	vmul.f32 $5.000000000e-01, v26;
	[tilespmem:s4+$0xFFFFFFD0] =	vst v17;
	v8 =	vld [tilespmem:s24+$0x20];
	v17 =	vmul.f32 $5.000000000e-01, v3  }
.Ltmp0:
0x7a: {  	v31 =	vmin.f32 v23, $1.000000000e+00;
	v20 =	vmax.f32 v20, $0.0e+00;
	v3 =	vadd.f32 $5.000000000e-01, v6;
	v6 =	vld [tilespmem:s4+$0x20];
	(pc) =	sbr.rel @p0 .LBB2_2-.Ltmp0, $4  }
0x7b: {  	v22 =	vmin.f32 v22, $1.000000000e+00;
	v14 =	vadd.f32 $5.000000000e-01, v14;
	v12 =	vld [tilespmem:s22+$0xFFFFFFD0];
	v13 =	vmul.f32 $5.000000000e-01, v13  }
0x7c: {  	v27 =	vmul.f32 $5.000000000e-01, v28;
	v25 =	vmul.f32 v22, v19;
	v3 =	vmax.f32 v3, $0.0e+00;
	v22 =	vld [tilespmem:s0+$0x10]  }
0x7d: {  	v19 =	vadd.f32 $5.000000000e-01, v26;
	v24 =	vmin.f32 v20, $1.000000000e+00;
	v23 =	vmin.f32 v3, $1.000000000e+00;
	v3 =	vld [tilespmem:s3+$0xFFFFFFD0]  }
0x7e: {  	v26 =	vmul.f32 $3.921568860e-03, v29;
	v28 =	vmax.f32 v14, $0.0e+00;
	s24 =	sadd.s32 $0x80, s24;
	v14 =	vmul.f32 v31, v30;
	s4 =	sadd.s32 $0x80, s4;
	v20 =	vld [tilespmem:s19+$0xFFFFFFF0]  }
0x7f: {  	v8 =	vmul.f32 $3.921568860e-03, v8  }
0x80: {  	v18 =	vadd.f32 $5.000000000e-01, v18;
	v21 =	vmul.f32 $3.921568860e-03, v21;
	v11 =	vmul.f32 $3.921568860e-03, v11  }
0x81: {  	v28 =	vmin.f32 v28, $1.000000000e+00;
	v16 =	vmul.f32 $3.921568860e-03, v16;
	v9 =	vmul.f32 v24, v9  }
0x82: {  	v27 =	vadd.f32 $5.000000000e-01, v27;
	v7 =	vmul.f32 $3.921568860e-03, v7;
	v6 =	vmul.f32 $5.000000000e-01, v6  }
0x83: {  	v10 =	vadd.f32 $5.000000000e-01, v10;
	v0 =	vmul.f32 $3.921568860e-03, v0;
	v4 =	vmul.f32 v28, v4  }
0x84: {  	v17 =	vadd.f32 $5.000000000e-01, v17;
	v23 =	vmul.f32 v23, v26;
	v12 =	vmul.f32 $5.000000000e-01, v12  }
0x85: {  	[tilespmem:s18+$0x20] =	vst v15;
	v10 =	vmax.f32 v10, $0.0e+00;
	v15 =	vmax.f32 v27, $0.0e+00;
	v22 =	vmul.f32 $5.000000000e-01, v22  }
0x86: {  	v18 =	vmax.f32 v18, $0.0e+00;
	v6 =	vadd.f32 $5.000000000e-01, v6;
	v0 =	vmul.f32 v1, v0  }
0x87: {  	v10 =	vmin.f32 v10, $1.000000000e+00;
	v15 =	vmin.f32 v15, $1.000000000e+00;
	v12 =	vadd.f32 $5.000000000e-01, v12  }
0x88: {  	v24 =	vld [tilespmem:s19+$0x20];
	v3 =	vmul.f32 $3.921568860e-03, v3;
	v5 =	vmul.f32 v10, v5;
	v10 =	vadd.f32 $5.000000000e-01, v13  }
0x89: {  	[tilespmem:s1+$0xFFFFFFE0] =	vst v25;
	v25 =	vld [tilespmem:s0+$0x20];
	v13 =	vmul.f32 v15, v16;
	v16 =	vmax.f32 v17, $0.0e+00;
	v17 =	vmax.f32 v19, $0.0e+00  }
0x8a: {  	[tilespmem:s1+$0x30] =	vst v9;
	v20 =	vmul.f32 $3.921568860e-03, v20;
	v6 =	vmax.f32 v6, $0.0e+00;
	v17 =	vmin.f32 v17, $1.000000000e+00  }
0x8b: {  	[tilespmem:s1+$0x0] =	vst v4;
	v4 =	vld [tilespmem:s20+$0x30];
	v9 =	vmax.f32 v12, $0.0e+00;
	v16 =	vmin.f32 v16, $1.000000000e+00;
	v6 =	vmin.f32 v6, $1.000000000e+00  }
0x8c: {  	v19 =	vld [tilespmem:s20+$0xFFFFFFE0];
	v7 =	vmul.f32 v17, v7;
	v17 =	vmin.f32 v18, $1.000000000e+00;
	v18 =	vadd.f32 $5.000000000e-01, v22  }
0x8d: {  	v15 =	vld [tilespmem:s21+$0xFFFFFFE0];
	v10 =	vmax.f32 v10, $0.0e+00;
	v22 =	vmul.f32 $3.921568860e-03, v24;
	v9 =	vmin.f32 v9, $1.000000000e+00  }
0x8e: {  	[tilespmem:s1+$0xFFFFFFC0] =	vst v23;
	v23 =	vld [tilespmem:s20+$0x0];
	v2 =	vmul.f32 v17, v2;
	v17 =	vmax.f32 v18, $0.0e+00;
	v18 =	vmul.f32 $5.000000000e-01, v25  }
0x8f: {  	v12 =	vld [tilespmem:s20+$0xFFFFFFC0];
	v11 =	vmul.f32 v16, v11;
	v6 =	vmul.f32 v6, v8;
	v10 =	vmin.f32 v10, $1.000000000e+00  }
0x90: {  	v3 =	vmul.f32 v9, v3;
	v10 =	vmul.f32 v10, v20;
	v18 =	vadd.f32 $5.000000000e-01, v18  }
0x91: {  	v24 =	vld [tilespmem:s21+$0x30];
	[tilespmem:s1+$0xFFFFFFF0] =	vst v5;
	v4 =	vmul.f32 $5.000000000e-01, v4;
	v19 =	vmul.f32 $5.000000000e-01, v19  }
0x92: {  	v15 =	vmul.f32 $3.921568860e-03, v15;
	v17 =	vmin.f32 v17, $1.000000000e+00;
	[tilespmem:s1+$0x10] =	vst v2;
	v2 =	vld [tilespmem:s20+$0xFFFFFFF0];
	v18 =	vmax.f32 v18, $0.0e+00  }
0x93: {  	[tilespmem:s0+$0xFFFFFFE0] =	vst v14;
	v8 =	vmul.f32 $5.000000000e-01, v23;
	v14 =	vld [tilespmem:s20+$0x10];
	v1 =	vadd.f32 $5.000000000e-01, v19;
	v18 =	vmin.f32 v18, $1.000000000e+00  }
0x94: {  	[tilespmem:s1+$0x20] =	vst v6;
	v12 =	vmul.f32 $5.000000000e-01, v12;
	v4 =	vadd.f32 $5.000000000e-01, v4;
	v16 =	vmul.f32 v18, v22;
	v18 =	vld [tilespmem:s21+$0x0]  }
0x95: {  	[tilespmem:s0+$0x30] =	vst v7;
	v7 =	vld [tilespmem:s20+$0x20];
	v17 =	vmul.f32 v17, v21;
	v8 =	vadd.f32 $5.000000000e-01, v8;
	v1 =	vmax.f32 v1, $0.0e+00  }
0x96: {  	[tilespmem:s0+$0x0] =	vst v13;
	v13 =	vld [tilespmem:s21+$0xFFFFFFF0];
	v12 =	vadd.f32 $5.000000000e-01, v12;
	v4 =	vmax.f32 v4, $0.0e+00;
	v1 =	vmin.f32 v1, $1.000000000e+00  }
0x97: {  	[tilespmem:s0+$0xFFFFFFD0] =	vst v0;
	v19 =	vld [tilespmem:s21+$0x10];
	v8 =	vmax.f32 v8, $0.0e+00;
	v2 =	vmul.f32 $5.000000000e-01, v2;
	v1 =	vmul.f32 v1, v15  }
0x98: {  	[tilespmem:s0+$0xFFFFFFC0] =	vst v11;
	v4 =	vmin.f32 v4, $1.000000000e+00;
	v15 =	vmul.f32 $3.921568860e-03, v24;
	v14 =	vmul.f32 $5.000000000e-01, v14  }
0x99: {  	v5 =	vld [tilespmem:s21+$0xFFFFFFC0];
	[tilespmem:s0+$0xFFFFFFF0] =	vst v10;
	v8 =	vmin.f32 v8, $1.000000000e+00;
	v2 =	vadd.f32 $5.000000000e-01, v2;
	v10 =	vmul.f32 $3.921568860e-03, v18  }
0x9a: {  	v0 =	vld [tilespmem:s21+$0x20];
	[tilespmem:s20+$0xFFFFFFD0] =	vst v3;
	v7 =	vmul.f32 $5.000000000e-01, v7;
	v11 =	vadd.f32 $5.000000000e-01, v14;
	v4 =	vmul.f32 v4, v15  }
0x9b: {  	[tilespmem:s0+$0x10] =	vst v17;
	v2 =	vmax.f32 v2, $0.0e+00;
	v8 =	vmul.f32 v8, v10;
	v10 =	vmul.f32 $3.921568860e-03, v13  }
0x9c: {  	v6 =	vmul.f32 $3.921568860e-03, v19;
	[tilespmem:s20+$0xFFFFFFE0] =	vst v1;
	v1 =	vmin.f32 v2, $1.000000000e+00;
	v2 =	vmax.f32 v11, $0.0e+00  }
0x9d: {  	v7 =	vadd.f32 $5.000000000e-01, v7;
	[tilespmem:s20+$0x30] =	vst v4;
	v2 =	vmin.f32 v2, $1.000000000e+00;
	v1 =	vmul.f32 v1, v10  }
0x9e: {  	v5 =	vmul.f32 $3.921568860e-03, v5;
	v2 =	vmul.f32 v2, v6;
	[tilespmem:s20+$0x0] =	vst v8;
	v8 =	vmax.f32 v12, $0.0e+00  }
0x9f: {  	v0 =	vmul.f32 $3.921568860e-03, v0;
	v4 =	vmin.f32 v8, $1.000000000e+00;
	[tilespmem:s20+$0xFFFFFFF0] =	vst v1;
	v1 =	vmax.f32 v7, $0.0e+00  }
0xa0: {  	[tilespmem:s20+$0x10] =	vst v2;
	v2 =	vmul.f32 v4, v5;
	v1 =	vmin.f32 v1, $1.000000000e+00  }
0xa1: {  	[tilespmem:s0+$0x20] =	vst v16;
	v0 =	vmul.f32 v1, v0  }
0xa2: {  	[tilespmem:s20+$0xFFFFFFC0] =	vst v2  }
0xa3: {  	[tilespmem:s20+$0x20] =	vst v0  }
0xa4: {  	[hbm4b:s11+s2] =	stream.linear.scatter [tilespmem:s2], [sflag:$0x5], $0x2000, $0x38;
	[tilespmem:$0x10000] =	vst v63  }
0xa5: {  	s23 =	simm.s32 $0x6000  }
0xa6: {  	[hbm4b:s12+s2] =	stream.linear.scatter [tilespmem:s23], [sflag:$0x5], $0x2000, $0x38;
	[tilespmem:$0x10000] =	vst v63  }
0xa7: {  	_ =	swait.ge [sflag:s28], $0x2000  }
0xa8: {  	[sflag:s28] =	ssyncset.done $0x0  }
0xa9: {  	[sflag:s28] =	ssyncadd.s32 $0xFFFFE000  }
0xaa: {  	_ =	swait.ge [sflag:s28], $0x2000  }
0xab: {  	[sflag:s28] =	ssyncset.done $0x0  }
0xac: {  	s24 =	simm.s32 $0xE040;
	[sflag:s28] =	ssyncadd.s32 $0xFFFFE000  }
0xad: {  	v1 =	vld [tilespmem:s24+$0x10]  }
0xae: {  	s18 =	simm.s32 $0x2070;
	v0 =	vld [tilespmem:s24+$0xFFFFFFD0]  }
0xaf: {  	v2 =	vld [tilespmem:s18+$0xFFFFFFA0]  }
0xb0: {  	v3 =	vld [tilespmem:s24+$0x30]  }
0xb1: {  	v4 =	vld [tilespmem:s24+$0xFFFFFFF0]  }
0xb2: {  	v5 =	vld [tilespmem:s24+$0x0]  }
0xb3: {  	v6 =	vld [tilespmem:s18+$0xFFFFFFB0]  }
0xb4: {  	v7 =	vld [tilespmem:s18+$0xFFFFFFE0]  }
0xb5: {  	v8 =	vld [tilespmem:s24+$0xFFFFFFE0]  }
0xb6: {  	v9 =	vld [tilespmem:s18+$0xFFFFFFC0]  }
0xb7: {  	v10 =	vld [tilespmem:s18+$0x0]  }
0xb8: {  	v11 =	vld [tilespmem:s18+$0xFFFFFFD0]  }
0xb9: {  	v12 =	vld [tilespmem:s18+$0xFFFFFF90]  }
0xba: {  	v13 =	vld [tilespmem:s24+$0xFFFFFFC0]  }
0xbb: {  	s3 =	simm.s32 $0xE0C0;
	v14 =	vld [tilespmem:s18+$0xFFFFFFF0]  }
0xbc: {  	v16 =	vld [tilespmem:s3+$0x10];
	v2 =	vmul.f32 $5.000000000e-01, v2  }
0xbd: {  	v17 =	vld [tilespmem:s3+$0x30];
	v6 =	vmul.f32 $5.000000000e-01, v6  }
0xbe: {  	s1 =	simm.s32 $0x20F0;
	v20 =	vld [tilespmem:s3+$0x0];
	v0 =	vmul.f32 $3.921568860e-03, v0;
	v8 =	vmul.f32 $3.921568860e-03, v8;
	v2 =	vadd.f32 $5.000000000e-01, v2  }
0xbf: {  	v21 =	vld [tilespmem:s1+$0xFFFFFFB0];
	v5 =	vmul.f32 $3.921568860e-03, v5;
	v12 =	vmul.f32 $5.000000000e-01, v12;
	v6 =	vadd.f32 $5.000000000e-01, v6  }
0xc0: {  	v22 =	vld [tilespmem:s1+$0xFFFFFFA0];
	v10 =	vmul.f32 $5.000000000e-01, v10;
	v11 =	vmul.f32 $5.000000000e-01, v11;
	v2 =	vmax.f32 v2, $0.0e+00  }
0xc1: {  	v24 =	vld [tilespmem:s1+$0xFFFFFFE0];
	v1 =	vmul.f32 $3.921568860e-03, v1;
	v6 =	vmax.f32 v6, $0.0e+00;
	v2 =	vmin.f32 v2, $1.000000000e+00  }
0xc2: {  	v28 =	vld [tilespmem:s3+$0xFFFFFFC0];
	v4 =	vmul.f32 $3.921568860e-03, v4;
	v6 =	vmin.f32 v6, $1.000000000e+00;
	v0 =	vmul.f32 v2, v0  }
0xc3: {  	v3 =	vmul.f32 $3.921568860e-03, v3;
	v11 =	vadd.f32 $5.000000000e-01, v11;
	v2 =	vld [tilespmem:s24+$0x20];
	v6 =	vmul.f32 v6, v8  }
0xc4: {  	v9 =	vmul.f32 $5.000000000e-01, v9;
	v7 =	vmul.f32 $5.000000000e-01, v7;
	v8 =	vld [tilespmem:s3+$0xFFFFFFD0];
	[tilespmem:s18+$0xFFFFFFA0] =	vst v0  }
0xc5: {  	s0 =	simm.s32 $0x8070;
	v12 =	vadd.f32 $5.000000000e-01, v12;
	v10 =	vadd.f32 $5.000000000e-01, v10;
	v11 =	vmax.f32 v11, $0.0e+00;
	[tilespmem:s18+$0xFFFFFFB0] =	vst v6;
	v6 =	vld [tilespmem:s3+$0xFFFFFFF0]  }
0xc6: {  	s19 =	simm.s32 $0xC040;
	v13 =	vmul.f32 $3.921568860e-03, v13;
	v7 =	vadd.f32 $5.000000000e-01, v7;
	v11 =	vmin.f32 v11, $1.000000000e+00;
	v15 =	vld [tilespmem:s0+$0xFFFFFFA0]  }
0xc7: {  	v12 =	vmax.f32 v12, $0.0e+00;
	v10 =	vmax.f32 v10, $0.0e+00;
	v5 =	vmul.f32 v11, v5;
	v19 =	vld [tilespmem:s19+$0xFFFFFFE0]  }
0xc8: {  	v7 =	vmax.f32 v7, $0.0e+00;
	v12 =	vmin.f32 v12, $1.000000000e+00;
	v18 =	vld [tilespmem:s0+$0xFFFFFFB0];
	v23 =	vmul.f32 $3.921568860e-03, v2  }
0xc9: {  	[tilespmem:s18+$0xFFFFFFD0] =	vst v5;
	v0 =	vld [tilespmem:s19+$0xFFFFFFD0];
	v2 =	vadd.f32 $5.000000000e-01, v9;
	v9 =	vmin.f32 v10, $1.000000000e+00;
	v10 =	vmul.f32 v12, v13  }
0xca: {  	v7 =	vmin.f32 v7, $1.000000000e+00;
	v26 =	vld [tilespmem:s0+$0xFFFFFFD0];
	v8 =	vmul.f32 $3.921568860e-03, v8;
	v3 =	vmul.f32 v9, v3  }
0xcb: {  	v12 =	vld [tilespmem:s3+$0xFFFFFFE0];
	v2 =	vmax.f32 v2, $0.0e+00;
	v5 =	vmul.f32 $3.921568860e-03, v6;
	v11 =	vmul.f32 $5.000000000e-01, v15  }
0xcc: {  	v13 =	vld [tilespmem:s1+$0xFFFFFFC0];
	[tilespmem:s18+$0xFFFFFF90] =	vst v10;
	v2 =	vmin.f32 v2, $1.000000000e+00;
	v15 =	vmul.f32 v7, v1;
	v29 =	vmul.f32 $3.921568860e-03, v19  }
0xcd: {  	v10 =	vld [tilespmem:s1+$0x0];
	v7 =	vmul.f32 $5.000000000e-01, v14;
	[tilespmem:s18+$0x0] =	vst v3;
	v3 =	vmul.f32 $5.000000000e-01, v18;
	v9 =	vadd.f32 $5.000000000e-01, v11  }
0xce: {  	v25 =	vld [tilespmem:s0+$0xFFFFFF90];
	v18 =	vmul.f32 $5.000000000e-01, v24;
	v11 =	vmul.f32 v2, v4  }
0xcf: {  	v14 =	vld [tilespmem:s1+$0xFFFFFFD0];
	v4 =	vmul.f32 $3.921568860e-03, v20;
	v1 =	vmax.f32 v9, $0.0e+00;
	v9 =	vmul.f32 $5.000000000e-01, v22  }
0xd0: {  	v19 =	vld [tilespmem:s1+$0xFFFFFF90];
	v2 =	vmul.f32 $3.921568860e-03, v16;
	v7 =	vadd.f32 $5.000000000e-01, v7;
	v3 =	vadd.f32 $5.000000000e-01, v3  }
0xd1: {  	v20 =	vld [tilespmem:s0+$0x0];
	v16 =	vmul.f32 $5.000000000e-01, v21;
	[tilespmem:s18+$0xFFFFFFE0] =	vst v15;
	v22 =	vmul.f32 $3.921568860e-03, v12;
	v9 =	vadd.f32 $5.000000000e-01, v9  }
0xd2: {  	v21 =	vld [tilespmem:s19+$0x10];
	v12 =	vmax.f32 v7, $0.0e+00;
	v3 =	vmax.f32 v3, $0.0e+00;
	v27 =	vmul.f32 $5.000000000e-01, v10  }
0xd3: {  	v7 =	vld [tilespmem:s19+$0x30];
	v10 =	vmul.f32 $5.000000000e-01, v13;
	v1 =	vmin.f32 v1, $1.000000000e+00;
	v6 =	vmax.f32 v9, $0.0e+00  }
0xd4: {  	[tilespmem:s18+$0xFFFFFFC0] =	vst v11;
	v11 =	vld [tilespmem:s19+$0xFFFFFFC0];
	v12 =	vmin.f32 v12, $1.000000000e+00;
	v14 =	vmul.f32 $5.000000000e-01, v14;
	v6 =	vmin.f32 v6, $1.000000000e+00  }
0xd5: {  	v13 =	vld [tilespmem:s0+$0xFFFFFFC0];
	v30 =	vmin.f32 v3, $1.000000000e+00;
	v6 =	vmul.f32 v6, v8;
	v8 =	vadd.f32 $5.000000000e-01, v16  }
0xd6: {  	v15 =	vmul.f32 v12, v23;
	v12 =	vmul.f32 $5.000000000e-01, v19;
	v19 =	vadd.f32 $5.000000000e-01, v27;
	v16 =	vld [tilespmem:s19+$0x0]  }
0xd7: {  	v27 =	vmul.f32 $5.000000000e-01, v26;
	v26 =	vmul.f32 $3.921568860e-03, v28;
	v23 =	vmax.f32 v8, $0.0e+00;
	v8 =	vld [tilespmem:s3+$0x20]  }
0xd8: {  	s22 =	simm.s32 $0x80F0;
	v20 =	vmul.f32 $5.000000000e-01, v20;
	v14 =	vadd.f32 $5.000000000e-01, v14;
	v24 =	vadd.f32 $5.000000000e-01, v12;
	[tilespmem:s1+$0xFFFFFFA0] =	vst v6;
	v6 =	vld [tilespmem:s1+$0xFFFFFFF0]  }
0xd9: {  	v9 =	vmul.f32 $3.921568860e-03, v17;
	v19 =	vmax.f32 v19, $0.0e+00;
	v12 =	vld [tilespmem:s22+$0xFFFFFFA0];
	v3 =	vmin.f32 v23, $1.000000000e+00  }
0xda: {  	v23 =	vmax.f32 v24, $0.0e+00;
	v24 =	vmin.f32 v19, $1.000000000e+00;
	v19 =	vadd.f32 $5.000000000e-01, v20;
	v20 =	vld [tilespmem:s19+$0xFFFFFFF0]  }
0xdb: {  	s4 =	simm.s32 $0x2170;
	s21 =	simm.s32 $0xC0C0;
	v17 =	vmul.f32 $5.000000000e-01, v25;
	v28 =	vmax.f32 v14, $0.0e+00;
	s3 =	simm.s32 $0xC0C0;
	v25 =	vmul.f32 v3, v22;
	v22 =	vld [tilespmem:s0+$0xFFFFFFE0]  }
0xdc: {  	s20 =	simm.s32 $0x80F0;
	s23 =	simm.s32 $0x80;
	s24 =	simm.s32 $0xE140;
	v14 =	vmul.f32 v30, v29;
	v13 =	vmul.f32 $5.000000000e-01, v13;
	v23 =	vmin.f32 v23, $1.000000000e+00;
	v3 =	vld [tilespmem:s3+$0xFFFFFFD0]  }
.LBB2_4:
0xdd: {  	v29 =	vld [tilespmem:s24+$0x10];
	s23 =	sadd.s32 $0x80, s23;
	[tilespmem:s1+$0xFFFFFFB0] =	vst v25;
	v18 =	vadd.f32 $5.000000000e-01, v18;
	v8 =	vmul.f32 $3.921568860e-03, v8;
	s22 =	sadd.s32 $0x80, s22;
	s3 =	sadd.s32 $0x80, s3;
	v21 =	vmul.f32 $3.921568860e-03, v21  }
0xde: {  	v28 =	vmin.f32 v28, $1.000000000e+00;
	v11 =	vmul.f32 $3.921568860e-03, v11;
	v27 =	vadd.f32 $5.000000000e-01, v27;
	v25 =	vld [tilespmem:s24+$0xFFFFFFD0];
	p0 =	slt.u32 s23, $0x1F80;
	[tilespmem:s18+$0xFFFFFFF0] =	vst v15;
	s18 =	smov.u32 s1;
	s1 =	smov.u32 s4  }
0xdf: {  	v10 =	vadd.f32 $5.000000000e-01, v10;
	v28 =	vmul.f32 v28, v4;
	v4 =	vmul.f32 $3.921568860e-03, v16;
	v15 =	vld [tilespmem:s24+$0x30];
	[tilespmem:s0+$0xFFFFFFB0] =	vst v14  }
0xe0: {  	v9 =	vmul.f32 v24, v9;
	v16 =	vadd.f32 $5.000000000e-01, v17;
	v14 =	vmul.f32 v23, v26;
	v17 =	vld [tilespmem:s19+$0x20];
	s19 =	smov.u32 s21;
	s21 =	smov.u32 s3  }
0xe1: {  	v7 =	vmul.f32 $3.921568860e-03, v7;
	v10 =	vmax.f32 v10, $0.0e+00;
	v24 =	vmax.f32 v27, $0.0e+00;
	v23 =	vld [tilespmem:s24+$0xFFFFFFF0]  }
0xe2: {  	v22 =	vmul.f32 $5.000000000e-01, v22;
	v10 =	vmin.f32 v10, $1.000000000e+00;
	[tilespmem:s18+$0x0] =	vst v9;
	v9 =	vmin.f32 v24, $1.000000000e+00;
	v24 =	vld [tilespmem:s0+$0xFFFFFFF0]  }
0xe3: {  	v5 =	vmul.f32 v10, v5;
	v10 =	vadd.f32 $5.000000000e-01, v13;
	v26 =	vld [tilespmem:s20+$0xFFFFFFB0];
	v4 =	vmul.f32 v9, v4  }
0xe4: {  	v13 =	vmax.f32 v16, $0.0e+00;
	v16 =	vmax.f32 v19, $0.0e+00;
	v9 =	vmul.f32 $5.000000000e-01, v12;
	v12 =	vld [tilespmem:s19+$0xFFFFFFE0]  }
0xe5: {  	v16 =	vmin.f32 v16, $1.000000000e+00;
	v10 =	vmax.f32 v10, $0.0e+00;
	v19 =	vld [tilespmem:s24+$0x0];
	[tilespmem:s18+$0xFFFFFF90] =	vst v14;
	v14 =	vmul.f32 $3.921568860e-03, v20  }
0xe6: {  	v18 =	vmax.f32 v18, $0.0e+00;
	v7 =	vmul.f32 v16, v7;
	v9 =	vadd.f32 $5.000000000e-01, v9;
	v20 =	vld [tilespmem:s4+$0xFFFFFFB0]  }
0xe7: {  	v18 =	vmin.f32 v18, $1.000000000e+00;
	v22 =	vadd.f32 $5.000000000e-01, v22;
	v17 =	vmul.f32 $3.921568860e-03, v17;
	v16 =	vld [tilespmem:s4+$0xFFFFFFA0]  }
0xe8: {  	v18 =	vmul.f32 v18, v2;
	v2 =	vmin.f32 v10, $1.000000000e+00;
	v9 =	vmax.f32 v9, $0.0e+00;
	v27 =	vld [tilespmem:s4+$0xFFFFFFE0];
	[tilespmem:s0+$0xFFFFFFD0] =	vst v4  }
0xe9: {  	v4 =	vmax.f32 v22, $0.0e+00;
	v10 =	vld [tilespmem:s24+$0xFFFFFFE0];
	v30 =	vmul.f32 $3.921568860e-03, v12;
	v12 =	vmul.f32 $5.000000000e-01, v24;
	[tilespmem:s0+$0x0] =	vst v7  }
0xea: {  	v6 =	vmul.f32 $5.000000000e-01, v6;
	v7 =	vmin.f32 v9, $1.000000000e+00;
	v9 =	vmul.f32 $5.000000000e-01, v26;
	v22 =	vld [tilespmem:s4+$0xFFFFFFC0]  }
0xeb: {  	v14 =	vmul.f32 v2, v14;
	v26 =	vmul.f32 $3.921568860e-03, v0;
	v2 =	vmin.f32 v4, $1.000000000e+00;
	v0 =	vmovc v3;
	v24 =	vld [tilespmem:s4+$0x0]  }
0xec: {  	v4 =	vmul.f32 $3.921568860e-03, v19;
	v19 =	vmul.f32 v2, v21;
	v12 =	vadd.f32 $5.000000000e-01, v12;
	v3 =	vld [tilespmem:s20+$0xFFFFFF90]  }
0xed: {  	v6 =	vadd.f32 $5.000000000e-01, v6;
	v2 =	vmul.f32 $3.921568860e-03, v29;
	v21 =	vmul.f32 v1, v26;
	v1 =	vmovc v7;
	v31 =	vld [tilespmem:s4+$0xFFFFFFD0];
	[tilespmem:s0+$0xFFFFFFC0] =	vst v14  }
0xee: {  	v9 =	vadd.f32 $5.000000000e-01, v9;
	v7 =	vmul.f32 $5.000000000e-01, v16;
	v12 =	vmax.f32 v12, $0.0e+00;
	v14 =	vld [tilespmem:s4+$0xFFFFFF90];
	[tilespmem:s0+$0xFFFFFFE0] =	vst v19  }
0xef: {  	v6 =	vmax.f32 v6, $0.0e+00;
	v19 =	vmul.f32 $3.921568860e-03, v10;
	v10 =	vmin.f32 v12, $1.000000000e+00;
	[tilespmem:s18+$0xFFFFFFD0] =	vst v28;
	v26 =	vld [tilespmem:s20+$0x0]  }
0xf0: {  	v13 =	vmin.f32 v13, $1.000000000e+00;
	v16 =	vmul.f32 $3.921568860e-03, v25;
	v12 =	vadd.f32 $5.000000000e-01, v7;
	[tilespmem:s18+$0xFFFFFFC0] =	vst v5;
	v28 =	vld [tilespmem:s20+$0xFFFFFFD0]  }
0xf1: {  	v13 =	vmul.f32 v13, v11;
	v5 =	vmul.f32 $3.921568860e-03, v23;
	v23 =	vmax.f32 v9, $0.0e+00;
	v7 =	vld [tilespmem:s19+$0x30];
	[tilespmem:s0+$0xFFFFFFA0] =	vst v21  }
0xf2: {  	v17 =	vmul.f32 v10, v17;
	v9 =	vmax.f32 v12, $0.0e+00;
	v12 =	vmul.f32 $5.000000000e-01, v20;
	v29 =	vld [tilespmem:s24+$0xFFFFFFC0];
	[tilespmem:s18+$0xFFFFFFE0] =	vst v18  }
0xf3: {  	v24 =	vmul.f32 $5.000000000e-01, v24;
	v20 =	vmin.f32 v9, $1.000000000e+00;
	v9 =	vmul.f32 $3.921568860e-03, v15;
	v11 =	vld [tilespmem:s19+$0xFFFFFFC0];
	[tilespmem:s0+$0xFFFFFF90] =	vst v13  }
0xf4: {  	v6 =	vmin.f32 v6, $1.000000000e+00;
	v10 =	vmul.f32 $5.000000000e-01, v22;
	v18 =	vmul.f32 $5.000000000e-01, v27;
	v13 =	vld [tilespmem:s20+$0xFFFFFFC0];
	[tilespmem:s0+$0xFFFFFFF0] =	vst v17;
	s0 =	smov.u32 s20;
	s20 =	smov.u32 s22  }
0xf5: {  	v15 =	vmul.f32 v6, v8;
	v12 =	vadd.f32 $5.000000000e-01, v12;
	v17 =	vmul.f32 v20, v16;
	v21 =	vld [tilespmem:s19+$0x10]  }
0xf6: {  	v6 =	vmul.f32 $5.000000000e-01, v14;
	v14 =	vmul.f32 $5.000000000e-01, v31;
	v20 =	vadd.f32 $5.000000000e-01, v24;
	v16 =	vld [tilespmem:s19+$0x0]  }
0xf7: {  	v22 =	vmax.f32 v12, $0.0e+00;
	v26 =	vmul.f32 $5.000000000e-01, v26;
	[tilespmem:s4+$0xFFFFFFA0] =	vst v17;
	v8 =	vld [tilespmem:s24+$0x20];
	v17 =	vmul.f32 $5.000000000e-01, v3  }
.Ltmp1:
0xf8: {  	v31 =	vmin.f32 v23, $1.000000000e+00;
	v20 =	vmax.f32 v20, $0.0e+00;
	v3 =	vadd.f32 $5.000000000e-01, v6;
	v6 =	vld [tilespmem:s4+$0xFFFFFFF0];
	(pc) =	sbr.rel @p0 .LBB2_4-.Ltmp1, $4  }
0xf9: {  	v22 =	vmin.f32 v22, $1.000000000e+00;
	v14 =	vadd.f32 $5.000000000e-01, v14;
	v12 =	vld [tilespmem:s22+$0xFFFFFFA0];
	v13 =	vmul.f32 $5.000000000e-01, v13  }
0xfa: {  	v27 =	vmul.f32 $5.000000000e-01, v28;
	v25 =	vmul.f32 v22, v19;
	v3 =	vmax.f32 v3, $0.0e+00;
	v22 =	vld [tilespmem:s0+$0xFFFFFFE0]  }
0xfb: {  	v19 =	vadd.f32 $5.000000000e-01, v26;
	v24 =	vmin.f32 v20, $1.000000000e+00;
	v23 =	vmin.f32 v3, $1.000000000e+00;
	v3 =	vld [tilespmem:s3+$0xFFFFFFD0]  }
0xfc: {  	v26 =	vmul.f32 $3.921568860e-03, v29;
	v28 =	vmax.f32 v14, $0.0e+00;
	s24 =	sadd.s32 $0x80, s24;
	v14 =	vmul.f32 v31, v30;
	s4 =	sadd.s32 $0x80, s4;
	v20 =	vld [tilespmem:s19+$0xFFFFFFF0]  }
0xfd: {  	v8 =	vmul.f32 $3.921568860e-03, v8  }
0xfe: {  	v18 =	vadd.f32 $5.000000000e-01, v18;
	v21 =	vmul.f32 $3.921568860e-03, v21;
	v11 =	vmul.f32 $3.921568860e-03, v11  }
0xff: {  	v28 =	vmin.f32 v28, $1.000000000e+00;
	v16 =	vmul.f32 $3.921568860e-03, v16;
	v9 =	vmul.f32 v24, v9  }
0x100: {  	v27 =	vadd.f32 $5.000000000e-01, v27;
	v7 =	vmul.f32 $3.921568860e-03, v7;
	v6 =	vmul.f32 $5.000000000e-01, v6  }
0x101: {  	v10 =	vadd.f32 $5.000000000e-01, v10;
	v0 =	vmul.f32 $3.921568860e-03, v0;
	v4 =	vmul.f32 v28, v4  }
0x102: {  	v17 =	vadd.f32 $5.000000000e-01, v17;
	v23 =	vmul.f32 v23, v26;
	v12 =	vmul.f32 $5.000000000e-01, v12  }
0x103: {  	[tilespmem:s18+$0xFFFFFFF0] =	vst v15;
	v10 =	vmax.f32 v10, $0.0e+00;
	v15 =	vmax.f32 v27, $0.0e+00;
	v22 =	vmul.f32 $5.000000000e-01, v22  }
0x104: {  	v18 =	vmax.f32 v18, $0.0e+00;
	v6 =	vadd.f32 $5.000000000e-01, v6;
	v0 =	vmul.f32 v1, v0  }
0x105: {  	v10 =	vmin.f32 v10, $1.000000000e+00;
	v15 =	vmin.f32 v15, $1.000000000e+00;
	v12 =	vadd.f32 $5.000000000e-01, v12  }
0x106: {  	v57 =	vld [tilespmem:s19+$0x20];
	v3 =	vmul.f32 $3.921568860e-03, v3;
	v5 =	vmul.f32 v10, v5;
	v10 =	vadd.f32 $5.000000000e-01, v13  }
0x107: {  	[tilespmem:s1+$0xFFFFFFB0] =	vst v25;
	v58 =	vld [tilespmem:s0+$0xFFFFFFF0];
	v13 =	vmul.f32 v15, v16;
	v16 =	vmax.f32 v17, $0.0e+00;
	v17 =	vmax.f32 v19, $0.0e+00  }
0x108: {  	[tilespmem:s1+$0x0] =	vst v9;
	v20 =	vmul.f32 $3.921568860e-03, v20;
	v6 =	vmax.f32 v6, $0.0e+00;
	v17 =	vmin.f32 v17, $1.000000000e+00  }
0x109: {  	[tilespmem:s1+$0xFFFFFFD0] =	vst v4;
	v4 =	vld [tilespmem:s20+$0x0];
	v9 =	vmax.f32 v12, $0.0e+00;
	v16 =	vmin.f32 v16, $1.000000000e+00;
	v6 =	vmin.f32 v6, $1.000000000e+00  }
0x10a: {  	v19 =	vld [tilespmem:s20+$0xFFFFFFB0];
	v7 =	vmul.f32 v17, v7;
	v17 =	vmin.f32 v18, $1.000000000e+00;
	v18 =	vadd.f32 $5.000000000e-01, v22  }
0x10b: {  	v15 =	vld [tilespmem:s21+$0xFFFFFFE0];
	v10 =	vmax.f32 v10, $0.0e+00;
	v22 =	vmul.f32 $3.921568860e-03, v57;
	v9 =	vmin.f32 v9, $1.000000000e+00  }
0x10c: {  	[tilespmem:s1+$0xFFFFFF90] =	vst v23;
	v23 =	vld [tilespmem:s20+$0xFFFFFFD0];
	v2 =	vmul.f32 v17, v2;
	v17 =	vmax.f32 v18, $0.0e+00;
	v18 =	vmul.f32 $5.000000000e-01, v58  }
0x10d: {  	v12 =	vld [tilespmem:s20+$0xFFFFFF90];
	v11 =	vmul.f32 v16, v11;
	v6 =	vmul.f32 v6, v8;
	v10 =	vmin.f32 v10, $1.000000000e+00  }
0x10e: {  	v3 =	vmul.f32 v9, v3;
	v10 =	vmul.f32 v10, v20;
	v18 =	vadd.f32 $5.000000000e-01, v18  }
0x10f: {  	v59 =	vld [tilespmem:s21+$0x30];
	[tilespmem:s1+$0xFFFFFFC0] =	vst v5;
	v4 =	vmul.f32 $5.000000000e-01, v4;
	v19 =	vmul.f32 $5.000000000e-01, v19  }
0x110: {  	v15 =	vmul.f32 $3.921568860e-03, v15;
	v17 =	vmin.f32 v17, $1.000000000e+00;
	[tilespmem:s1+$0xFFFFFFE0] =	vst v2;
	v2 =	vld [tilespmem:s20+$0xFFFFFFC0];
	v18 =	vmax.f32 v18, $0.0e+00  }
0x111: {  	[tilespmem:s0+$0xFFFFFFB0] =	vst v14;
	v8 =	vmul.f32 $5.000000000e-01, v23;
	v14 =	vld [tilespmem:s20+$0xFFFFFFE0];
	v1 =	vadd.f32 $5.000000000e-01, v19;
	v18 =	vmin.f32 v18, $1.000000000e+00  }
0x112: {  	[tilespmem:s1+$0xFFFFFFF0] =	vst v6;
	v12 =	vmul.f32 $5.000000000e-01, v12;
	v4 =	vadd.f32 $5.000000000e-01, v4;
	v16 =	vmul.f32 v18, v22;
	v18 =	vld [tilespmem:s21+$0x0]  }
0x113: {  	[tilespmem:s0+$0x0] =	vst v7;
	v7 =	vld [tilespmem:s20+$0xFFFFFFF0];
	v17 =	vmul.f32 v17, v21;
	v8 =	vadd.f32 $5.000000000e-01, v8;
	v1 =	vmax.f32 v1, $0.0e+00  }
0x114: {  	[tilespmem:s0+$0xFFFFFFD0] =	vst v13;
	v13 =	vld [tilespmem:s21+$0xFFFFFFF0];
	v12 =	vadd.f32 $5.000000000e-01, v12;
	v4 =	vmax.f32 v4, $0.0e+00;
	v1 =	vmin.f32 v1, $1.000000000e+00  }
0x115: {  	[tilespmem:s0+$0xFFFFFFA0] =	vst v0;
	v19 =	vld [tilespmem:s21+$0x10];
	v8 =	vmax.f32 v8, $0.0e+00;
	v2 =	vmul.f32 $5.000000000e-01, v2;
	v1 =	vmul.f32 v1, v15  }
0x116: {  	[tilespmem:s0+$0xFFFFFF90] =	vst v11;
	v4 =	vmin.f32 v4, $1.000000000e+00;
	v15 =	vmul.f32 $3.921568860e-03, v59;
	v14 =	vmul.f32 $5.000000000e-01, v14  }
0x117: {  	v5 =	vld [tilespmem:s21+$0xFFFFFFC0];
	[tilespmem:s0+$0xFFFFFFC0] =	vst v10;
	v8 =	vmin.f32 v8, $1.000000000e+00;
	v2 =	vadd.f32 $5.000000000e-01, v2;
	v10 =	vmul.f32 $3.921568860e-03, v18  }
0x118: {  	v0 =	vld [tilespmem:s21+$0x20];
	[tilespmem:s20+$0xFFFFFFA0] =	vst v3;
	v7 =	vmul.f32 $5.000000000e-01, v7;
	v11 =	vadd.f32 $5.000000000e-01, v14;
	v4 =	vmul.f32 v4, v15  }
0x119: {  	[tilespmem:s0+$0xFFFFFFE0] =	vst v17;
	v2 =	vmax.f32 v2, $0.0e+00;
	v8 =	vmul.f32 v8, v10;
	v10 =	vmul.f32 $3.921568860e-03, v13  }
0x11a: {  	v6 =	vmul.f32 $3.921568860e-03, v19;
	[tilespmem:s20+$0xFFFFFFB0] =	vst v1;
	v1 =	vmin.f32 v2, $1.000000000e+00;
	v2 =	vmax.f32 v11, $0.0e+00  }
0x11b: {  	v7 =	vadd.f32 $5.000000000e-01, v7;
	[tilespmem:s20+$0x0] =	vst v4;
	v2 =	vmin.f32 v2, $1.000000000e+00;
	v1 =	vmul.f32 v1, v10  }
0x11c: {  	v5 =	vmul.f32 $3.921568860e-03, v5;
	v2 =	vmul.f32 v2, v6;
	[tilespmem:s20+$0xFFFFFFD0] =	vst v8;
	v8 =	vmax.f32 v12, $0.0e+00  }
0x11d: {  	v0 =	vmul.f32 $3.921568860e-03, v0;
	v4 =	vmin.f32 v8, $1.000000000e+00;
	[tilespmem:s20+$0xFFFFFFC0] =	vst v1;
	v1 =	vmax.f32 v7, $0.0e+00  }
0x11e: {  	[tilespmem:s20+$0xFFFFFFE0] =	vst v2;
	v2 =	vmul.f32 v4, v5;
	v1 =	vmin.f32 v1, $1.000000000e+00  }
0x11f: {  	[tilespmem:s0+$0xFFFFFFF0] =	vst v16;
	v0 =	vmul.f32 v1, v0  }
0x120: {  	[tilespmem:s20+$0xFFFFFF90] =	vst v2  }
0x121: {  	s24 =	simm.s32 $0x0;
	s18 =	simm.s32 $0x2000;
	[tilespmem:s20+$0xFFFFFFF0] =	vst v0  }
0x122: {  	[hbm4b:s13+s24] =	stream.linear.scatter [tilespmem:s18], [sflag:$0x5], $0x2000, $0x38;
	[tilespmem:$0x10000] =	vst v63  }
0x123: {  	s19 =	simm.s32 $0x8000  }
0x124: {  	[hbm4b:s14+s24] =	stream.linear.scatter [tilespmem:s19], [sflag:$0x5], $0x2000, $0x38;
	[tilespmem:$0x10000] =	vst v63  }
0x125: {  	_ =	swait.ge [sflag:s29], $0x2000  }
0x126: {  	[sflag:s29] =	ssyncset.done $0x0  }
0x127: {  	[sflag:s29] =	ssyncadd.s32 $0xFFFFE000  }
0x128: {  	_ =	swait.ge [sflag:s29], $0x2000  }
0x129: {  	[sflag:s29] =	ssyncset.done $0x0  }
0x12a: {  	s0 =	simm.s32 $0x0;
	[sflag:s29] =	ssyncadd.s32 $0xFFFFE000  }
0x12b: {  	v5 =	vld [tilespmem:s0+$0x4050]  }
0x12c: {  	v0 =	vld [tilespmem:s0+$0xE060]  }
0x12d: {  	v1 =	vld [tilespmem:s0+$0xA040]  }
0x12e: {  	v2 =	vld [tilespmem:s0+$0x4040]  }
0x12f: {  	v3 =	vld [tilespmem:s0+$0xA030]  }
0x130: {  	v4 =	vld [tilespmem:s0+$0xA060]  }
0x131: {  	v6 =	vld [tilespmem:s0+$0xC070]  }
0x132: {  	v7 =	vld [tilespmem:s0+$0x4030]  }
0x133: {  	v8 =	vld [tilespmem:s0+$0xA020]  }
0x134: {  	v10 =	vld [tilespmem:s0+$0xC020]  }
0x135: {  	v11 =	vld [tilespmem:s0+$0xA050]  }
0x136: {  	v18 =	vld [tilespmem:s0+$0x4000];
	v12 =	vmul.f32 $3.921568860e-03, v0  }
0x137: {  	v20 =	vld [tilespmem:s0+$0xA010];
	v4 =	vmul.f32 $5.000000000e-01, v4;
	v0 =	vmul.f32 $3.921568860e-03, v6  }
0x138: {  	v16 =	vld [tilespmem:s0+$0xE030];
	v3 =	vmul.f32 $5.000000000e-01, v3;
	v7 =	vmul.f32 $5.000000000e-01, v7  }
0x139: {  	v21 =	vld [tilespmem:s0+$0xE000];
	v14 =	vmul.f32 $5.000000000e-01, v2;
	v2 =	vmul.f32 $5.000000000e-01, v8  }
0x13a: {  	v23 =	vld [tilespmem:s0+$0x4010];
	v15 =	vmul.f32 $5.000000000e-01, v1;
	v1 =	vmul.f32 $3.921568860e-03, v10  }
0x13b: {  	v9 =	vld [tilespmem:s0+$0x4020];
	v11 =	vmul.f32 $5.000000000e-01, v11;
	v5 =	vmul.f32 $5.000000000e-01, v5  }
0x13c: {  	v6 =	vld [tilespmem:s0+$0x4060];
	v18 =	vmul.f32 $5.000000000e-01, v18;
	v20 =	vmul.f32 $5.000000000e-01, v20;
	v4 =	vadd.f32 $5.000000000e-01, v4  }
0x13d: {  	v8 =	vld [tilespmem:s0+$0xC050];
	v61 =	vmul.f32 $3.921568860e-03, v16;
	v3 =	vadd.f32 $5.000000000e-01, v3;
	v7 =	vadd.f32 $5.000000000e-01, v7  }
0x13e: {  	v10 =	vld [tilespmem:s0+$0xC030];
	v21 =	vmul.f32 $3.921568860e-03, v21;
	v14 =	vadd.f32 $5.000000000e-01, v14;
	v15 =	vadd.f32 $5.000000000e-01, v15  }
0x13f: {  	v23 =	vmul.f32 $5.000000000e-01, v23;
	v5 =	vadd.f32 $5.000000000e-01, v5;
	v20 =	vadd.f32 $5.000000000e-01, v20  }
0x140: {  	v13 =	vld [tilespmem:s0+$0xC040];
	v17 =	vmax.f32 v3, $0.0e+00;
	v3 =	vmul.f32 $5.000000000e-01, v9;
	v9 =	vmax.f32 v14, $0.0e+00  }
0x141: {  	v16 =	vld [tilespmem:s0+$0x4070];
	v60 =	vmax.f32 v15, $0.0e+00;
	v19 =	vmul.f32 $5.000000000e-01, v6;
	v6 =	vadd.f32 $5.000000000e-01, v11  }
0x142: {  	v14 =	vld [tilespmem:s0+$0xE050];
	v5 =	vmax.f32 v5, $0.0e+00;
	v15 =	vmul.f32 $3.921568860e-03, v8;
	v8 =	vmax.f32 v7, $0.0e+00  }
0x143: {  	v7 =	vld [tilespmem:s0+$0xE040];
	v11 =	vmin.f32 v17, $1.000000000e+00;
	v17 =	vmul.f32 $3.921568860e-03, v10;
	v6 =	vmax.f32 v6, $0.0e+00  }
0x144: {  	v10 =	vadd.f32 $5.000000000e-01, v18;
	v18 =	vld [tilespmem:s0+$0xC000];
	v22 =	vmin.f32 v8, $1.000000000e+00;
	v6 =	vmin.f32 v6, $1.000000000e+00  }
0x145: {  	v8 =	vmin.f32 v9, $1.000000000e+00;
	v19 =	vadd.f32 $5.000000000e-01, v19;
	v9 =	vmul.f32 v6, v15;
	v15 =	vld [tilespmem:s0+$0xC010]  }
0x146: {  	v5 =	vmin.f32 v5, $1.000000000e+00;
	v25 =	vmul.f32 v22, v61;
	v6 =	vmul.f32 $3.921568860e-03, v13;
	v13 =	vld [tilespmem:s0+$0xA000]  }
0x147: {  	v62 =	vmul.f32 $3.921568860e-03, v14;
	v14 =	vmax.f32 v19, $0.0e+00;
	v19 =	vmax.f32 v10, $0.0e+00;
	v10 =	vld [tilespmem:s0+$0xE020]  }
0x148: {  	v22 =	vmin.f32 v14, $1.000000000e+00;
	v63 =	vmin.f32 v19, $1.000000000e+00;
	v14 =	vld [tilespmem:s0+$0xE010];
	v19 =	vmax.f32 v20, $0.0e+00  }
0x149: {  	v4 =	vmax.f32 v4, $0.0e+00;
	[tilespmem:s0+$0xA050] =	vst v9;
	v9 =	vmin.f32 v19, $1.000000000e+00;
	v20 =	vmul.f32 v5, v62;
	v19 =	vld [tilespmem:s0+$0xC060]  }
0x14a: {  	s3 =	simm.s32 $0x200;
	s1 =	simm.s32 $0x0;
	[tilespmem:s0+$0x4030] =	vst v25;
	v22 =	vmul.f32 v22, v12;
	v21 =	vmul.f32 v63, v21;
	v5 =	vmin.f32 v60, $1.000000000e+00;
	v12 =	vld [tilespmem:s0+$0xA070]  }
.LBB2_6:
0x14b: {  	s4 =	sshra.s32 s3, $0x2;
	s1 =	sadd.s32 $0x80, s1;
	v15 =	vmul.f32 $3.921568860e-03, v15;
	v11 =	vmul.f32 v11, v17;
	v4 =	vmin.f32 v4, $1.000000000e+00;
	v17 =	vld [tilespmem:s0+$0xE070]  }
0x14c: {  	v18 =	vmul.f32 $3.921568860e-03, v18;
	v3 =	vadd.f32 $5.000000000e-01, v3;
	v7 =	vmul.f32 $3.921568860e-03, v7;
	v24 =	vld [tilespmem:s4+$0x4050];
	p0 =	slt.u32 s1, $0x1F80;
	[tilespmem:s0+$0x4060] =	vst v22  }
0x14d: {  	v13 =	vmul.f32 $5.000000000e-01, v13;
	v16 =	vmul.f32 $5.000000000e-01, v16;
	v23 =	vadd.f32 $5.000000000e-01, v23;
	v22 =	vld [tilespmem:s4+$0xE060];
	[tilespmem:s0+$0x4050] =	vst v20  }
0x14e: {  	v2 =	vadd.f32 $5.000000000e-01, v2;
	v7 =	vmul.f32 v8, v7;
	v20 =	vld [tilespmem:s4+$0xA040];
	[tilespmem:s0+$0x4000] =	vst v21;
	v8 =	vmul.f32 $3.921568860e-03, v19  }
0x14f: {  	v6 =	vmul.f32 v5, v6;
	v16 =	vadd.f32 $5.000000000e-01, v16;
	v21 =	vmax.f32 v23, $0.0e+00;
	v19 =	vld [tilespmem:s4+$0x4040]  }
0x150: {  	v14 =	vmul.f32 $3.921568860e-03, v14;
	v2 =	vmax.f32 v2, $0.0e+00;
	v21 =	vmin.f32 v21, $1.000000000e+00;
	v23 =	vld [tilespmem:s4+$0xA030];
	[tilespmem:s0+$0xA030] =	vst v11  }
0x151: {  	v10 =	vmul.f32 $3.921568860e-03, v10;
	v13 =	vadd.f32 $5.000000000e-01, v13;
	v2 =	vmin.f32 v2, $1.000000000e+00;
	v11 =	vld [tilespmem:s4+$0xA060]  }
0x152: {  	v1 =	vmul.f32 v2, v1;
	v2 =	vmax.f32 v16, $0.0e+00;
	v5 =	vmul.f32 $3.921568860e-03, v22;
	v22 =	vld [tilespmem:s4+$0xC070];
	[tilespmem:s0+$0x4040] =	vst v7  }
0x153: {  	v9 =	vmul.f32 v9, v15;
	v14 =	vmul.f32 v21, v14;
	v2 =	vmin.f32 v2, $1.000000000e+00;
	v7 =	vld [tilespmem:s4+$0x4030]  }
0x154: {  	v3 =	vmax.f32 v3, $0.0e+00;
	v15 =	vld [tilespmem:s4+$0xA020];
	[tilespmem:s0+$0xA020] =	vst v1;
	v1 =	vmul.f32 v4, v8;
	v4 =	vmul.f32 $3.921568860e-03, v17  }
0x155: {  	v3 =	vmin.f32 v3, $1.000000000e+00;
	v13 =	vmax.f32 v13, $0.0e+00;
	v12 =	vmul.f32 $5.000000000e-01, v12;
	v8 =	vld [tilespmem:s4+$0x4020];
	[tilespmem:s0+$0x4010] =	vst v14  }
0x156: {  	v13 =	vmin.f32 v13, $1.000000000e+00;
	v14 =	vld [tilespmem:s4+$0xC020];
	v11 =	vmul.f32 $5.000000000e-01, v11;
	[tilespmem:s0+$0xA060] =	vst v1;
	v1 =	vmul.f32 v2, v4  }
0x157: {  	v3 =	vmul.f32 v3, v10;
	v2 =	vadd.f32 $5.000000000e-01, v12;
	v4 =	vld [tilespmem:s4+$0xA050];
	v16 =	vmul.f32 $3.921568860e-03, v22  }
0x158: {  	v13 =	vmul.f32 v13, v18;
	v10 =	vmul.f32 $5.000000000e-01, v23;
	v12 =	vld [tilespmem:s4+$0x4060];
	v11 =	vadd.f32 $5.000000000e-01, v11;
	[tilespmem:s0+$0xA010] =	vst v9  }
0x159: {  	v7 =	vmul.f32 $5.000000000e-01, v7;
	v9 =	vmul.f32 $5.000000000e-01, v19;
	v17 =	vld [tilespmem:s4+$0xC040];
	[tilespmem:s0+$0xA040] =	vst v6;
	v6 =	vmax.f32 v2, $0.0e+00  }
0x15a: {  	v10 =	vadd.f32 $5.000000000e-01, v10;
	v2 =	vmul.f32 $5.000000000e-01, v15;
	v15 =	vmul.f32 $5.000000000e-01, v20;
	v18 =	vld [tilespmem:s4+$0xC050];
	[tilespmem:s0+$0x4070] =	vst v1  }
0x15b: {  	v7 =	vadd.f32 $5.000000000e-01, v7;
	v9 =	vadd.f32 $5.000000000e-01, v9;
	v1 =	vmul.f32 $3.921568860e-03, v14;
	v14 =	vld [tilespmem:s4+$0xC030];
	[tilespmem:s0+$0x4020] =	vst v3  }
0x15c: {  	v10 =	vmax.f32 v10, $0.0e+00;
	v6 =	vmin.f32 v6, $1.000000000e+00;
	v19 =	vld [tilespmem:s4+$0xE030];
	v20 =	vmul.f32 $5.000000000e-01, v4;
	[tilespmem:s0+$0xA000] =	vst v13  }
0x15d: {  	v15 =	vadd.f32 $5.000000000e-01, v15;
	v4 =	vmax.f32 v11, $0.0e+00;
	v13 =	vld [tilespmem:s4+$0x4000];
	v12 =	vmul.f32 $5.000000000e-01, v12  }
0x15e: {  	v3 =	vmul.f32 $5.000000000e-01, v8;
	v8 =	vmax.f32 v9, $0.0e+00;
	v21 =	vld [tilespmem:s4+$0xA010];
	v9 =	vadd.f32 $5.000000000e-01, v20  }
0x15f: {  	v6 =	vmul.f32 v6, v0;
	v0 =	vmovc v16;
	v25 =	vmax.f32 v15, $0.0e+00;
	v20 =	vld [tilespmem:s4+$0xE050];
	v15 =	vmul.f32 $3.921568860e-03, v18  }
0x160: {  	v16 =	vmul.f32 $5.000000000e-01, v24;
	v11 =	vmax.f32 v7, $0.0e+00;
	v7 =	vld [tilespmem:s4+$0xE040];
	v9 =	vmax.f32 v9, $0.0e+00  }
0x161: {  	v23 =	vmin.f32 v11, $1.000000000e+00;
	v11 =	vmin.f32 v10, $1.000000000e+00;
	v22 =	vld [tilespmem:s4+$0xE000];
	v9 =	vmin.f32 v9, $1.000000000e+00;
	[tilespmem:s0+$0xA070] =	vst v6;
	s0 =	smov.u32 s4  }
0x162: {  	v8 =	vmin.f32 v8, $1.000000000e+00;
	v10 =	vadd.f32 $5.000000000e-01, v16;
	v24 =	vld [tilespmem:s0+$0x4010];
	v9 =	vmul.f32 v9, v15  }
0x163: {  	v12 =	vadd.f32 $5.000000000e-01, v12;
	v6 =	vmul.f32 $3.921568860e-03, v17;
	v16 =	vmul.f32 $5.000000000e-01, v13;
	v15 =	vld [tilespmem:s0+$0xC010]  }
0x164: {  	v10 =	vmax.f32 v10, $0.0e+00;
	v17 =	vmul.f32 $3.921568860e-03, v14;
	v21 =	vmul.f32 $5.000000000e-01, v21;
	v13 =	vld [tilespmem:s0+$0xA000];
	[tilespmem:s0+$0xA050] =	vst v9  }
0x165: {  	v14 =	vmul.f32 $3.921568860e-03, v19;
	v19 =	vmin.f32 v10, $1.000000000e+00;
	v9 =	vadd.f32 $5.000000000e-01, v16;
	v18 =	vld [tilespmem:s0+$0xC000]  }
.Ltmp2:
0x166: {  	v12 =	vmax.f32 v12, $0.0e+00;
	v20 =	vmul.f32 $3.921568860e-03, v20;
	v21 =	vadd.f32 $5.000000000e-01, v21;
	v16 =	vld [tilespmem:s0+$0x4070];
	(pc) =	sbr.rel @p0 .LBB2_6-.Ltmp2, $4  }
0x167: {  	v12 =	vmin.f32 v12, $1.000000000e+00;
	v23 =	vmul.f32 v23, v14;
	v9 =	vmax.f32 v9, $0.0e+00;
	v10 =	vld [tilespmem:s0+$0xE020]  }
0x168: {  	v27 =	vmul.f32 $3.921568860e-03, v22;
	v26 =	vmin.f32 v9, $1.000000000e+00;
	v9 =	vmax.f32 v21, $0.0e+00;
	v14 =	vld [tilespmem:s0+$0xE010]  }
0x169: {  	v20 =	vmul.f32 v19, v20;
	v22 =	vmul.f32 v12, v5;
	v9 =	vmin.f32 v9, $1.000000000e+00;
	[tilespmem:s0+$0x4030] =	vst v23;
	v19 =	vld [tilespmem:s0+$0xC060]  }
0x16a: {  	s3 =	sadd.s32 $0x200, s3;
	v5 =	vmin.f32 v25, $1.000000000e+00;
	v21 =	vmul.f32 v26, v27;
	v23 =	vmul.f32 $5.000000000e-01, v24;
	v12 =	vld [tilespmem:s0+$0xA070]  }
0x16b: {  	v15 =	vmul.f32 $3.921568860e-03, v15  }
0x16c: {  	v11 =	vmul.f32 v11, v17;
	v4 =	vmin.f32 v4, $1.000000000e+00;
	v51 =	vmul.f32 $3.921568860e-03, v18  }
0x16d: {  	v3 =	vadd.f32 $5.000000000e-01, v3;
	v7 =	vmul.f32 $3.921568860e-03, v7;
	v13 =	vmul.f32 $5.000000000e-01, v13  }
0x16e: {  	v2 =	vadd.f32 $5.000000000e-01, v2;
	[tilespmem:s0+$0x4060] =	vst v22;
	v16 =	vmul.f32 $5.000000000e-01, v16;
	v5 =	vmul.f32 v5, v6  }
0x16f: {  	[tilespmem:s0+$0x4050] =	vst v20;
	v52 =	vadd.f32 $5.000000000e-01, v23;
	v10 =	vmul.f32 $3.921568860e-03, v10;
	v7 =	vmul.f32 v8, v7  }
0x170: {  	[tilespmem:s0+$0x4000] =	vst v21;
	v2 =	vmax.f32 v2, $0.0e+00;
	v14 =	vmul.f32 $3.921568860e-03, v14;
	v56 =	vadd.f32 $5.000000000e-01, v16  }
0x171: {  	v53 =	vld [tilespmem:s0+$0xE070];
	[tilespmem:s0+$0xA030] =	vst v11;
	v57 =	vadd.f32 $5.000000000e-01, v13;
	v60 =	vmul.f32 v9, v15;
	v3 =	vmax.f32 v3, $0.0e+00  }
0x172: {  	[tilespmem:s0+$0xA040] =	vst v5;
	v54 =	vmul.f32 $3.921568860e-03, v19;
	v18 =	vmax.f32 v52, $0.0e+00;
	v2 =	vmin.f32 v2, $1.000000000e+00  }
0x173: {  	v3 =	vmin.f32 v3, $1.000000000e+00;
	v1 =	vmul.f32 v2, v1;
	[tilespmem:s0+$0x4040] =	vst v7;
	v59 =	vmul.f32 $5.000000000e-01, v12  }
0x174: {  	v55 =	vmin.f32 v18, $1.000000000e+00;
	v2 =	vmax.f32 v56, $0.0e+00;
	[tilespmem:s0+$0xA010] =	vst v60;
	v3 =	vmul.f32 v3, v10  }
0x175: {  	v63 =	vmax.f32 v57, $0.0e+00;
	v6 =	vmul.f32 v55, v14;
	[tilespmem:s0+$0xA020] =	vst v1;
	v62 =	vadd.f32 $5.000000000e-01, v59  }
0x176: {  	v58 =	vmul.f32 v4, v54;
	v61 =	vmul.f32 $3.921568860e-03, v53;
	v4 =	vmin.f32 v63, $1.000000000e+00;
	[tilespmem:s0+$0x4020] =	vst v3  }
0x177: {  	v2 =	vmin.f32 v2, $1.000000000e+00;
	v4 =	vmul.f32 v4, v51;
	[tilespmem:s0+$0x4010] =	vst v6;
	v1 =	vmax.f32 v62, $0.0e+00  }
0x178: {  	[tilespmem:s0+$0xA060] =	vst v58;
	v2 =	vmul.f32 v2, v61;
	v1 =	vmin.f32 v1, $1.000000000e+00  }
0x179: {  	[tilespmem:s0+$0xA000] =	vst v4;
	v0 =	vmul.f32 v1, v0  }
0x17a: {  	[tilespmem:s0+$0x4070] =	vst v2  }
0x17b: {  	s3 =	simm.s32 $0x4000;
	[tilespmem:s0+$0xA070] =	vst v0  }
0x17c: {  	[hbm4b:s15+s2] =	stream.linear.scatter [tilespmem:s3], [sflag:$0x5], $0x2000, $0x38;
	[tilespmem:$0x10000] =	vst v63  }
0x17d: {  	s4 =	simm.s32 $0xA000  }
0x17e: {  	[hbm4b:s16+s2] =	stream.linear.scatter [tilespmem:s4], [sflag:$0x5], $0x2000, $0x38;
	[tilespmem:$0x10000] =	vst v63  }
0x17f: {  	_ =	swait.ge [sflag:s30], $0x2000  }
0x180: {  	[sflag:s30] =	ssyncset.done $0x0  }
0x181: {  	[sflag:s30] =	ssyncadd.s32 $0xFFFFE000  }
0x182: {  	_ =	swait.ge [sflag:s30], $0x2000  }
0x183: {  	[sflag:s30] =	ssyncset.done $0x0  }
0x184: {  	[sflag:s30] =	ssyncadd.s32 $0xFFFFE000  }
0x185: {  	_ =	swait.ge [sflag:s30], $0x2000  }
0x186: {  	[sflag:s30] =	ssyncset.done $0x0  }
0x187: {  	[sflag:s30] =	ssyncadd.s32 $0xFFFFE000  }
0x188: {  	_ =	swait.ge [sflag:s30], $0x2000  }
0x189: {  	[sflag:s30] =	ssyncset.done $0x0  }
0x18a: {  	s31 =	sadd.s32 $0x1, s31;
	[sflag:s30] =	ssyncadd.s32 $0xFFFFE000  }
0x18b: {  	p0 =	sne.s32 s31, s17;
	_ =	swait.ge [sflag:s30], $0x2000  }
.Ltmp3:
0x18c: {  	[sflag:s30] =	ssyncset.done $0x0;
	(pc) =	sbr.rel @p0 .LBB2_1-.Ltmp3, $4  }
0x18d: {  	[sflag:s30] =	ssyncadd.s32 $0xFFFFE000  }
0x18e: {  	_ =	swait.ge [sflag:s30], $0x2000  }
0x18f: {  	[sflag:s30] =	ssyncset.done $0x0  }
0x190: {  	[sflag:s30] =	ssyncadd.s32 $0xFFFFE000  }
0x191: {  	_ =	sfence.sel $0x180000  }
0x192: {  	[bflag:$0x0] =	sbarrier.arrive $0xFFFF  }
0x193: {  	_ =	strace $0x90000047  }
0x194: {  	s0 =	stileid.u32;
	[bflag:$0x2] =	sbarrier.arrive $0xFFFF  }
0x195: {  	p0 =	sne.s32 s0, $0x0;
	s0 =	rddreg [dreg:$0x3]  }
0x196: {  	s0 =	sadd.s32 @!p0 $0x100000, s0  }
0x197: {  	[sflag:s0] =	ssyncadd.tile.s32 @!p0 $0x1;
	_ =	shalt  }
.Lfunc_end2:
_tile_overlayer_lowered:
.L_overlay_start_2:
0x198: {  	(tag) =	ssettag $0x2  }
0x199: {  	s0 =	rddreg [dreg:$0x0];
	s2 =	stileid.u32  }
0x19a: {  	s1 =	rddreg [dreg:$0x1];
	p0 =	sne.s32 s2, $0x0  }
0x19b: {  	s3 =	rddreg [dreg:$0x2];
	[bflag:$0x3] =	sbarrier.arrive $0xFFFF;
	s2 =	simm.s32 @!p0 $0x1C06  }
0x19c: {  	[timem:s3], [sflag:s2] =	dma.local @!p0 [hbm:s0], s1  }
0x19d: {  	s0 =	simm.s32 @!p0 $0x6  }
0x19e: {  	_ =	swait.ge @!p0 [sflag:s0], s1  }
0x19f: {  	s1 =	ssub.s32 @!p0 $0x0, s1;
	[sflag:s0] =	ssyncset.done @!p0 $0x0  }
0x1a0: {  	[sflag:s0] =	ssyncadd.s32 @!p0 s1  }
0x1a1: {  	[bflag:$0x3] =	sbarrier.arrive $0xFFFF  }
0x1a2: {  	_ =	shalt  }

</sc_bundles>
